<compile_context>
chip_gen: v7x
topology: tpu7x:2x2x1
jax: 0.10.2.dev20260603
libtpu: 0.0.44.dev20260713+nightly
codegen_flags: <defaults>
</compile_context>

<pallas_src>
import functools

import jax
import jax.numpy as jnp
from jax import lax
from jax.experimental import pallas as pl
from jax.experimental.pallas import tpu as pltpu
from jax.experimental.pallas import tpu_sc as plsc

CHUNK = 128
N_BUF = 7
AHEAD = 6


@functools.lru_cache(maxsize=None)
def _make_gather(V, D, B):
    info = plsc.get_sparse_core_info()
    NC, NS = info.num_cores, info.num_subcores
    NW = NC * NS
    assert B % (NW * CHUNK) == 0
    n_chunks = B // (NW * CHUNK)
    assert 0 < AHEAD < N_BUF
    H = AHEAD + (n_chunks - AHEAD - N_BUF) % N_BUF
    n_main = (n_chunks - H - N_BUF) // N_BUF
    assert n_main >= 0 and H + AHEAD <= n_chunks and H >= N_BUF - AHEAD
    mesh = plsc.VectorSubcoreMesh(core_axis_name="c", subcore_axis_name="s")

    @functools.partial(
        pl.kernel,
        mesh=mesh,
        out_type=jax.ShapeDtypeStruct((B, D), jnp.float32),
        scratch_types=[
            pltpu.VMEM((n_chunks, CHUNK), jnp.int32),
        ]
        + [pltpu.VMEM((CHUNK, D), jnp.float32)] * N_BUF
        + [pltpu.SemaphoreType.DMA] * (2 * N_BUF),
    )
    def grab(x_hbm, w_hbm, out_hbm, idx_v, *rest):
        bufs = rest[:N_BUF]
        gsems = rest[N_BUF : 2 * N_BUF]
        osems = rest[2 * N_BUF :]
        wid = lax.axis_index("s") * NC + lax.axis_index("c")
        pltpu.sync_copy(x_hbm.at[wid], idx_v)
        out_base = wid * (n_chunks * CHUNK)

        def start_gather(j, slot):
            pltpu.async_copy(w_hbm.at[idx_v.at[j]], bufs[slot], gsems[slot])

        def wait_gather(j, slot):
            pltpu.make_async_copy(
                w_hbm.at[idx_v.at[j]], bufs[slot], gsems[slot]
            ).wait()

        def out_slice(j):
            return out_hbm.at[pl.ds(out_base + j * CHUNK, CHUNK)]

        def start_out(j, slot):
            pltpu.async_copy(bufs[slot], out_slice(j), osems[slot])

        def wait_out(j, slot):
            pltpu.make_async_copy(bufs[slot], out_slice(j), osems[slot]).wait()

        def retire(j, slot):
            wait_gather(j, slot)
            start_out(j, slot)

        for j in range(AHEAD):
            start_gather(j, j % N_BUF)
        for j in range(H):
            jg = j + AHEAD
            csl = jg % N_BUF
            if jg - N_BUF >= 0:
                wait_out(jg - N_BUF, csl)
            start_gather(jg, csl)
            retire(j, j % N_BUF)

        def body(i, carry):
            for b_off in range(N_BUF):
                j = H + N_BUF * i + b_off
                slot = (H + b_off) % N_BUF
                csl = (slot + AHEAD) % N_BUF
                wait_out(j + AHEAD - N_BUF, csl)
                start_gather(j + AHEAD, csl)
                retire(j, slot)
            return carry

        lax.fori_loop(0, n_main, body, 0)

        for j in range(n_chunks - N_BUF, n_chunks):
            jg = j + AHEAD
            if jg < n_chunks:
                csl = jg % N_BUF
                wait_out(jg - N_BUF, csl)
                start_gather(jg, csl)
            retire(j, j % N_BUF)
        for j in range(n_chunks - N_BUF, n_chunks):
            wait_out(j, j % N_BUF)

    return grab


def kernel(x, weight):
    B, S = x.shape
    V, D = weight.shape
    total = B * S
    info = plsc.get_sparse_core_info()
    NW = info.num_cores * info.num_subcores
    n_chunks = total // (NW * CHUNK)
    xf = x.astype(jnp.int32).reshape(NW, n_chunks, CHUNK)
    out = _make_gather(V, D, total)(xf, weight)
    return out.reshape(B, S, D)

# --- scband reference (transcript-rebuilt; emitter-appended) ---
"""Pipeline reference for scband-salt-embedding-36155034698290 (READ-ONLY COPY).

The authoritative reference and input builder live on the scoring server;
editing this copy changes nothing except your own understanding.
"""

import jax, jax.numpy as jnp
import numpy as np

VOCAB = 100000
DIM = 128
BATCH = 1024
SEQ = 200
PAD_IDX = 0

def setup_inputs(seed: int = 0) -> dict:
    key = jax.random.key(seed)
    k1, k2 = jax.random.split(key)
    x = jax.random.randint(k1, (BATCH, SEQ), 0, VOCAB)
    weight = jax.random.normal(k2, (VOCAB, DIM), dtype=jnp.float32)
    # nn.Embedding zeroes the padding_idx row
    weight = weight.at[PAD_IDX].set(0.0)
    return {"x": x, "weight": weight}

def reference(x, weight):
    # SaltEmbedding.forward: out = self.embedding(x) -> gather rows of the table
    out = jnp.take(weight, x, axis=0)
    return out

if __name__ == "__main__":
    import jax
    _d = setup_inputs()
    print(jax.jit(kernel)(*tuple(_d.values())))

</pallas_src>

<mosaic_0001>
#map = affine_map<(d0, d1) -> (0, 0, 0)>
#map1 = affine_map<(d0, d1) -> (0, 0)>
module attributes {stable_mosaic.version = 14 : i64} {
  func.func @grab(%arg0: i32, %arg1: i32, %arg2: memref<32x50x128xi32, #tpu.memory_space<hbm>>, %arg3: memref<100000x128xf32, #tpu.memory_space<hbm>>, %arg4: memref<204800x128xf32, #tpu.memory_space<hbm>>, %arg5: memref<50x128xi32, #tpu.memory_space<vmem>>, %arg6: memref<128x128xf32, #tpu.memory_space<vmem>>, %arg7: memref<128x128xf32, #tpu.memory_space<vmem>>, %arg8: memref<128x128xf32, #tpu.memory_space<vmem>>, %arg9: memref<128x128xf32, #tpu.memory_space<vmem>>, %arg10: memref<128x128xf32, #tpu.memory_space<vmem>>, %arg11: memref<128x128xf32, #tpu.memory_space<vmem>>, %arg12: memref<128x128xf32, #tpu.memory_space<vmem>>, %arg13: memref<!tpu.dma_semaphore, #tpu.memory_space<semaphore_mem>>, %arg14: memref<!tpu.dma_semaphore, #tpu.memory_space<semaphore_mem>>, %arg15: memref<!tpu.dma_semaphore, #tpu.memory_space<semaphore_mem>>, %arg16: memref<!tpu.dma_semaphore, #tpu.memory_space<semaphore_mem>>, %arg17: memref<!tpu.dma_semaphore, #tpu.memory_space<semaphore_mem>>, %arg18: memref<!tpu.dma_semaphore, #tpu.memory_space<semaphore_mem>>, %arg19: memref<!tpu.dma_semaphore, #tpu.memory_space<semaphore_mem>>, %arg20: memref<!tpu.dma_semaphore, #tpu.memory_space<semaphore_mem>>, %arg21: memref<!tpu.dma_semaphore, #tpu.memory_space<semaphore_mem>>, %arg22: memref<!tpu.dma_semaphore, #tpu.memory_space<semaphore_mem>>, %arg23: memref<!tpu.dma_semaphore, #tpu.memory_space<semaphore_mem>>, %arg24: memref<!tpu.dma_semaphore, #tpu.memory_space<semaphore_mem>>, %arg25: memref<!tpu.dma_semaphore, #tpu.memory_space<semaphore_mem>>, %arg26: memref<!tpu.dma_semaphore, #tpu.memory_space<semaphore_mem>>) attributes {dimension_semantics = [#tpu.dimension_semantics<core_parallel>, #tpu.dimension_semantics<subcore_parallel>], iteration_bounds = array<i64: 2, 16>, scalar_prefetch = 0 : i64, scratch_operands = 22 : i64, tpu.core_type = #tpu.core_type<sc_vector_subcore>, window_params = [{transform_indices = #map}, {transform_indices = #map1}, {transform_indices = #map1}]} {
    %mul3A = arith.constant 2 : i32
    %mul3A_0 = arith.muli %arg1, %mul3A : i32
    %add3A = arith.addi %mul3A_0, %arg0 : i32
    "tpu.region"() ({
      %run_scoped3A = tpu.sem_alloc : memref<!tpu.dma_semaphore, #tpu.memory_space<semaphore_mem>>
      %dma_start3A_396 = arith.constant 0 : i32
      %dma_start3A_397 = arith.constant 0 : i32
      %dma_start3A_398 = tpu.memref_slice %arg2[%add3A, %dma_start3A_396, %dma_start3A_397] : memref<32x50x128xi32, #tpu.memory_space<hbm>> -> memref<1x50x128xi32, #tpu.memory_space<hbm>>
      %dma_start3A_399 = tpu.memref_squeeze %dma_start3A_398 : memref<1x50x128xi32, #tpu.memory_space<hbm>> -> memref<50x128xi32, #tpu.memory_space<hbm>>
      %dma_start3A_400 = arith.constant 0 : i32
      %dma_start3A_401 = arith.constant 0 : i32
      %dma_start3A_402 = tpu.memref_slice %arg2[%add3A, %dma_start3A_400, %dma_start3A_401] : memref<32x50x128xi32, #tpu.memory_space<hbm>> -> memref<1x50x128xi32, #tpu.memory_space<hbm>>
      %dma_start3A_403 = tpu.memref_squeeze %dma_start3A_402 : memref<1x50x128xi32, #tpu.memory_space<hbm>> -> memref<50x128xi32, #tpu.memory_space<hbm>>
      tpu.enqueue_dma source(%dma_start3A_403 : memref<50x128xi32, #tpu.memory_space<hbm>>) target(%arg5 : memref<50x128xi32, #tpu.memory_space<vmem>>) target_semaphore(%run_scoped3A : memref<!tpu.dma_semaphore, #tpu.memory_space<semaphore_mem>>)
      %dma_wait3A_404 = arith.constant 0 : i32
      %dma_wait3A_405 = arith.constant 0 : i32
      %dma_wait3A_406 = tpu.memref_slice %arg2[%add3A, %dma_wait3A_404, %dma_wait3A_405] : memref<32x50x128xi32, #tpu.memory_space<hbm>> -> memref<1x50x128xi32, #tpu.memory_space<hbm>>
      %dma_wait3A_407 = tpu.memref_squeeze %dma_wait3A_406 : memref<1x50x128xi32, #tpu.memory_space<hbm>> -> memref<50x128xi32, #tpu.memory_space<hbm>>
      %dma_wait3A_408 = arith.constant 0 : i32
      %dma_wait3A_409 = arith.constant 0 : i32
      %dma_wait3A_410 = tpu.memref_slice %arg2[%add3A, %dma_wait3A_408, %dma_wait3A_409] : memref<32x50x128xi32, #tpu.memory_space<hbm>> -> memref<1x50x128xi32, #tpu.memory_space<hbm>>
      %dma_wait3A_411 = tpu.memref_squeeze %dma_wait3A_410 : memref<1x50x128xi32, #tpu.memory_space<hbm>> -> memref<50x128xi32, #tpu.memory_space<hbm>>
      tpu.wait_dma2 semaphore(%run_scoped3A : memref<!tpu.dma_semaphore, #tpu.memory_space<semaphore_mem>>) src(%dma_wait3A_411 : memref<50x128xi32, #tpu.memory_space<hbm>>) dst(%arg5 : memref<50x128xi32, #tpu.memory_space<vmem>>)
      tpu.yield
    }) : () -> ()
    %mul3A_1 = arith.constant 6400 : i32
    %mul3A_2 = arith.muli %add3A, %mul3A_1 : i32
    %dma_start3A = arith.constant 0 : i32
    %dma_start3A_3 = arith.constant 0 : i32
    %dma_start3A_4 = tpu.memref_slice %arg5[%dma_start3A, %dma_start3A_3] : memref<50x128xi32, #tpu.memory_space<vmem>> -> memref<1x128xi32, #tpu.memory_space<vmem>>
    %dma_start3A_5 = tpu.memref_squeeze %dma_start3A_4 : memref<1x128xi32, #tpu.memory_space<vmem>> -> memref<128xi32, #tpu.memory_space<vmem>>
    %dma_start3A_6 = arith.constant 0 : i32
    %dma_start3A_7 = arith.constant 0 : i32
    %dma_start3A_8 = tpu.memref_slice %arg3[%dma_start3A_6, %dma_start3A_7] : memref<100000x128xf32, #tpu.memory_space<hbm>> -> memref<100000x128xf32, #tpu.memory_space<hbm>>
    tpu.enqueue_indirect_dma source(%dma_start3A_8 : memref<100000x128xf32, #tpu.memory_space<hbm>>) target(%arg6 : memref<128x128xf32, #tpu.memory_space<vmem>>) offsets(%dma_start3A_5 : memref<128xi32, #tpu.memory_space<vmem>>) semaphore(%arg13 : memref<!tpu.dma_semaphore, #tpu.memory_space<semaphore_mem>>)
    %dma_start3A_9 = arith.constant 1 : i32
    %dma_start3A_10 = arith.constant 0 : i32
    %dma_start3A_11 = tpu.memref_slice %arg5[%dma_start3A_9, %dma_start3A_10] : memref<50x128xi32, #tpu.memory_space<vmem>> -> memref<1x128xi32, #tpu.memory_space<vmem>>
    %dma_start3A_12 = tpu.memref_squeeze %dma_start3A_11 : memref<1x128xi32, #tpu.memory_space<vmem>> -> memref<128xi32, #tpu.memory_space<vmem>>
    %dma_start3A_13 = arith.constant 0 : i32
    %dma_start3A_14 = arith.constant 0 : i32
    %dma_start3A_15 = tpu.memref_slice %arg3[%dma_start3A_13, %dma_start3A_14] : memref<100000x128xf32, #tpu.memory_space<hbm>> -> memref<100000x128xf32, #tpu.memory_space<hbm>>
    tpu.enqueue_indirect_dma source(%dma_start3A_15 : memref<100000x128xf32, #tpu.memory_space<hbm>>) target(%arg7 : memref<128x128xf32, #tpu.memory_space<vmem>>) offsets(%dma_start3A_12 : memref<128xi32, #tpu.memory_space<vmem>>) semaphore(%arg14 : memref<!tpu.dma_semaphore, #tpu.memory_space<semaphore_mem>>)
    %dma_start3A_16 = arith.constant 2 : i32
    %dma_start3A_17 = arith.constant 0 : i32
    %dma_start3A_18 = tpu.memref_slice %arg5[%dma_start3A_16, %dma_start3A_17] : memref<50x128xi32, #tpu.memory_space<vmem>> -> memref<1x128xi32, #tpu.memory_space<vmem>>
    %dma_start3A_19 = tpu.memref_squeeze %dma_start3A_18 : memref<1x128xi32, #tpu.memory_space<vmem>> -> memref<128xi32, #tpu.memory_space<vmem>>
    %dma_start3A_20 = arith.constant 0 : i32
    %dma_start3A_21 = arith.constant 0 : i32
    %dma_start3A_22 = tpu.memref_slice %arg3[%dma_start3A_20, %dma_start3A_21] : memref<100000x128xf32, #tpu.memory_space<hbm>> -> memref<100000x128xf32, #tpu.memory_space<hbm>>
    tpu.enqueue_indirect_dma source(%dma_start3A_22 : memref<100000x128xf32, #tpu.memory_space<hbm>>) target(%arg8 : memref<128x128xf32, #tpu.memory_space<vmem>>) offsets(%dma_start3A_19 : memref<128xi32, #tpu.memory_space<vmem>>) semaphore(%arg15 : memref<!tpu.dma_semaphore, #tpu.memory_space<semaphore_mem>>)
    %dma_start3A_23 = arith.constant 3 : i32
    %dma_start3A_24 = arith.constant 0 : i32
    %dma_start3A_25 = tpu.memref_slice %arg5[%dma_start3A_23, %dma_start3A_24] : memref<50x128xi32, #tpu.memory_space<vmem>> -> memref<1x128xi32, #tpu.memory_space<vmem>>
    %dma_start3A_26 = tpu.memref_squeeze %dma_start3A_25 : memref<1x128xi32, #tpu.memory_space<vmem>> -> memref<128xi32, #tpu.memory_space<vmem>>
    %dma_start3A_27 = arith.constant 0 : i32
    %dma_start3A_28 = arith.constant 0 : i32
    %dma_start3A_29 = tpu.memref_slice %arg3[%dma_start3A_27, %dma_start3A_28] : memref<100000x128xf32, #tpu.memory_space<hbm>> -> memref<100000x128xf32, #tpu.memory_space<hbm>>
    tpu.enqueue_indirect_dma source(%dma_start3A_29 : memref<100000x128xf32, #tpu.memory_space<hbm>>) target(%arg9 : memref<128x128xf32, #tpu.memory_space<vmem>>) offsets(%dma_start3A_26 : memref<128xi32, #tpu.memory_space<vmem>>) semaphore(%arg16 : memref<!tpu.dma_semaphore, #tpu.memory_space<semaphore_mem>>)
    %dma_start3A_30 = arith.constant 4 : i32
    %dma_start3A_31 = arith.constant 0 : i32
    %dma_start3A_32 = tpu.memref_slice %arg5[%dma_start3A_30, %dma_start3A_31] : memref<50x128xi32, #tpu.memory_space<vmem>> -> memref<1x128xi32, #tpu.memory_space<vmem>>
    %dma_start3A_33 = tpu.memref_squeeze %dma_start3A_32 : memref<1x128xi32, #tpu.memory_space<vmem>> -> memref<128xi32, #tpu.memory_space<vmem>>
    %dma_start3A_34 = arith.constant 0 : i32
    %dma_start3A_35 = arith.constant 0 : i32
    %dma_start3A_36 = tpu.memref_slice %arg3[%dma_start3A_34, %dma_start3A_35] : memref<100000x128xf32, #tpu.memory_space<hbm>> -> memref<100000x128xf32, #tpu.memory_space<hbm>>
    tpu.enqueue_indirect_dma source(%dma_start3A_36 : memref<100000x128xf32, #tpu.memory_space<hbm>>) target(%arg10 : memref<128x128xf32, #tpu.memory_space<vmem>>) offsets(%dma_start3A_33 : memref<128xi32, #tpu.memory_space<vmem>>) semaphore(%arg17 : memref<!tpu.dma_semaphore, #tpu.memory_space<semaphore_mem>>)
    %dma_start3A_37 = arith.constant 5 : i32
    %dma_start3A_38 = arith.constant 0 : i32
    %dma_start3A_39 = tpu.memref_slice %arg5[%dma_start3A_37, %dma_start3A_38] : memref<50x128xi32, #tpu.memory_space<vmem>> -> memref<1x128xi32, #tpu.memory_space<vmem>>
    %dma_start3A_40 = tpu.memref_squeeze %dma_start3A_39 : memref<1x128xi32, #tpu.memory_space<vmem>> -> memref<128xi32, #tpu.memory_space<vmem>>
    %dma_start3A_41 = arith.constant 0 : i32
    %dma_start3A_42 = arith.constant 0 : i32
    %dma_start3A_43 = tpu.memref_slice %arg3[%dma_start3A_41, %dma_start3A_42] : memref<100000x128xf32, #tpu.memory_space<hbm>> -> memref<100000x128xf32, #tpu.memory_space<hbm>>
    tpu.enqueue_indirect_dma source(%dma_start3A_43 : memref<100000x128xf32, #tpu.memory_space<hbm>>) target(%arg11 : memref<128x128xf32, #tpu.memory_space<vmem>>) offsets(%dma_start3A_40 : memref<128xi32, #tpu.memory_space<vmem>>) semaphore(%arg18 : memref<!tpu.dma_semaphore, #tpu.memory_space<semaphore_mem>>)
    %dma_start3A_44 = arith.constant 6 : i32
    %dma_start3A_45 = arith.constant 0 : i32
    %dma_start3A_46 = tpu.memref_slice %arg5[%dma_start3A_44, %dma_start3A_45] : memref<50x128xi32, #tpu.memory_space<vmem>> -> memref<1x128xi32, #tpu.memory_space<vmem>>
    %dma_start3A_47 = tpu.memref_squeeze %dma_start3A_46 : memref<1x128xi32, #tpu.memory_space<vmem>> -> memref<128xi32, #tpu.memory_space<vmem>>
    %dma_start3A_48 = arith.constant 0 : i32
    %dma_start3A_49 = arith.constant 0 : i32
    %dma_start3A_50 = tpu.memref_slice %arg3[%dma_start3A_48, %dma_start3A_49] : memref<100000x128xf32, #tpu.memory_space<hbm>> -> memref<100000x128xf32, #tpu.memory_space<hbm>>
    tpu.enqueue_indirect_dma source(%dma_start3A_50 : memref<100000x128xf32, #tpu.memory_space<hbm>>) target(%arg12 : memref<128x128xf32, #tpu.memory_space<vmem>>) offsets(%dma_start3A_47 : memref<128xi32, #tpu.memory_space<vmem>>) semaphore(%arg19 : memref<!tpu.dma_semaphore, #tpu.memory_space<semaphore_mem>>)
    %dma_wait3A = arith.constant 0 : i32
    %dma_wait3A_51 = arith.constant 0 : i32
    %dma_wait3A_52 = tpu.memref_slice %arg5[%dma_wait3A, %dma_wait3A_51] : memref<50x128xi32, #tpu.memory_space<vmem>> -> memref<1x128xi32, #tpu.memory_space<vmem>>
    %dma_wait3A_53 = tpu.memref_squeeze %dma_wait3A_52 : memref<1x128xi32, #tpu.memory_space<vmem>> -> memref<128xi32, #tpu.memory_space<vmem>>
    %dma_wait3A_54 = arith.constant 0 : i32
    %dma_wait3A_55 = arith.constant 0 : i32
    %dma_wait3A_56 = tpu.memref_slice %arg3[%dma_wait3A_54, %dma_wait3A_55] : memref<100000x128xf32, #tpu.memory_space<hbm>> -> memref<100000x128xf32, #tpu.memory_space<hbm>>
    tpu.wait_indirect_dma semaphore(%arg13 : memref<!tpu.dma_semaphore, #tpu.memory_space<semaphore_mem>>) src(%dma_wait3A_56 : memref<100000x128xf32, #tpu.memory_space<hbm>>) dst(%arg6 : memref<128x128xf32, #tpu.memory_space<vmem>>)
    %add3A_57 = arith.constant 0 : i32
    %add3A_58 = arith.addi %mul3A_2, %add3A_57 : i32
    %dma_start3A_59 = arith.constant 0 : i32
    %dma_start3A_60 = tpu.memref_slice %arg4[%add3A_58, %dma_start3A_59] : memref<204800x128xf32, #tpu.memory_space<hbm>> -> memref<128x128xf32, #tpu.memory_space<hbm>>
    %dma_start3A_61 = arith.constant 0 : i32
    %dma_start3A_62 = tpu.memref_slice %arg4[%add3A_58, %dma_start3A_61] : memref<204800x128xf32, #tpu.memory_space<hbm>> -> memref<128x128xf32, #tpu.memory_space<hbm>>
    tpu.enqueue_dma source(%arg6 : memref<128x128xf32, #tpu.memory_space<vmem>>) target(%dma_start3A_62 : memref<128x128xf32, #tpu.memory_space<hbm>>) target_semaphore(%arg20 : memref<!tpu.dma_semaphore, #tpu.memory_space<semaphore_mem>>)
    %add3A_63 = arith.constant 0 : i32
    %add3A_64 = arith.addi %mul3A_2, %add3A_63 : i32
    %dma_wait3A_65 = arith.constant 0 : i32
    %dma_wait3A_66 = tpu.memref_slice %arg4[%add3A_64, %dma_wait3A_65] : memref<204800x128xf32, #tpu.memory_space<hbm>> -> memref<128x128xf32, #tpu.memory_space<hbm>>
    %dma_wait3A_67 = arith.constant 0 : i32
    %dma_wait3A_68 = tpu.memref_slice %arg4[%add3A_64, %dma_wait3A_67] : memref<204800x128xf32, #tpu.memory_space<hbm>> -> memref<128x128xf32, #tpu.memory_space<hbm>>
    tpu.wait_dma2 semaphore(%arg20 : memref<!tpu.dma_semaphore, #tpu.memory_space<semaphore_mem>>) src(%arg6 : memref<128x128xf32, #tpu.memory_space<vmem>>) dst(%dma_wait3A_68 : memref<128x128xf32, #tpu.memory_space<hbm>>)
    %dma_start3A_69 = arith.constant 7 : i32
    %dma_start3A_70 = arith.constant 0 : i32
    %dma_start3A_71 = tpu.memref_slice %arg5[%dma_start3A_69, %dma_start3A_70] : memref<50x128xi32, #tpu.memory_space<vmem>> -> memref<1x128xi32, #tpu.memory_space<vmem>>
    %dma_start3A_72 = tpu.memref_squeeze %dma_start3A_71 : memref<1x128xi32, #tpu.memory_space<vmem>> -> memref<128xi32, #tpu.memory_space<vmem>>
    %dma_start3A_73 = arith.constant 0 : i32
    %dma_start3A_74 = arith.constant 0 : i32
    %dma_start3A_75 = tpu.memref_slice %arg3[%dma_start3A_73, %dma_start3A_74] : memref<100000x128xf32, #tpu.memory_space<hbm>> -> memref<100000x128xf32, #tpu.memory_space<hbm>>
    tpu.enqueue_indirect_dma source(%dma_start3A_75 : memref<100000x128xf32, #tpu.memory_space<hbm>>) target(%arg6 : memref<128x128xf32, #tpu.memory_space<vmem>>) offsets(%dma_start3A_72 : memref<128xi32, #tpu.memory_space<vmem>>) semaphore(%arg13 : memref<!tpu.dma_semaphore, #tpu.memory_space<semaphore_mem>>)
    %dma_wait3A_76 = arith.constant 1 : i32
    %dma_wait3A_77 = arith.constant 0 : i32
    %dma_wait3A_78 = tpu.memref_slice %arg5[%dma_wait3A_76, %dma_wait3A_77] : memref<50x128xi32, #tpu.memory_space<vmem>> -> memref<1x128xi32, #tpu.memory_space<vmem>>
    %dma_wait3A_79 = tpu.memref_squeeze %dma_wait3A_78 : memref<1x128xi32, #tpu.memory_space<vmem>> -> memref<128xi32, #tpu.memory_space<vmem>>
    %dma_wait3A_80 = arith.constant 0 : i32
    %dma_wait3A_81 = arith.constant 0 : i32
    %dma_wait3A_82 = tpu.memref_slice %arg3[%dma_wait3A_80, %dma_wait3A_81] : memref<100000x128xf32, #tpu.memory_space<hbm>> -> memref<100000x128xf32, #tpu.memory_space<hbm>>
    tpu.wait_indirect_dma semaphore(%arg14 : memref<!tpu.dma_semaphore, #tpu.memory_space<semaphore_mem>>) src(%dma_wait3A_82 : memref<100000x128xf32, #tpu.memory_space<hbm>>) dst(%arg7 : memref<128x128xf32, #tpu.memory_space<vmem>>)
    %add3A_83 = arith.constant 128 : i32
    %add3A_84 = arith.addi %mul3A_2, %add3A_83 : i32
    %dma_start3A_85 = arith.constant 0 : i32
    %dma_start3A_86 = tpu.memref_slice %arg4[%add3A_84, %dma_start3A_85] : memref<204800x128xf32, #tpu.memory_space<hbm>> -> memref<128x128xf32, #tpu.memory_space<hbm>>
    %dma_start3A_87 = arith.constant 0 : i32
    %dma_start3A_88 = tpu.memref_slice %arg4[%add3A_84, %dma_start3A_87] : memref<204800x128xf32, #tpu.memory_space<hbm>> -> memref<128x128xf32, #tpu.memory_space<hbm>>
    tpu.enqueue_dma source(%arg7 : memref<128x128xf32, #tpu.memory_space<vmem>>) target(%dma_start3A_88 : memref<128x128xf32, #tpu.memory_space<hbm>>) target_semaphore(%arg21 : memref<!tpu.dma_semaphore, #tpu.memory_space<semaphore_mem>>)
    %add3A_89 = arith.constant 128 : i32
    %add3A_90 = arith.addi %mul3A_2, %add3A_89 : i32
    %dma_wait3A_91 = arith.constant 0 : i32
    %dma_wait3A_92 = tpu.memref_slice %arg4[%add3A_90, %dma_wait3A_91] : memref<204800x128xf32, #tpu.memory_space<hbm>> -> memref<128x128xf32, #tpu.memory_space<hbm>>
    %dma_wait3A_93 = arith.constant 0 : i32
    %dma_wait3A_94 = tpu.memref_slice %arg4[%add3A_90, %dma_wait3A_93] : memref<204800x128xf32, #tpu.memory_space<hbm>> -> memref<128x128xf32, #tpu.memory_space<hbm>>
    tpu.wait_dma2 semaphore(%arg21 : memref<!tpu.dma_semaphore, #tpu.memory_space<semaphore_mem>>) src(%arg7 : memref<128x128xf32, #tpu.memory_space<vmem>>) dst(%dma_wait3A_94 : memref<128x128xf32, #tpu.memory_space<hbm>>)
    %dma_start3A_95 = arith.constant 8 : i32
    %dma_start3A_96 = arith.constant 0 : i32
    %dma_start3A_97 = tpu.memref_slice %arg5[%dma_start3A_95, %dma_start3A_96] : memref<50x128xi32, #tpu.memory_space<vmem>> -> memref<1x128xi32, #tpu.memory_space<vmem>>
    %dma_start3A_98 = tpu.memref_squeeze %dma_start3A_97 : memref<1x128xi32, #tpu.memory_space<vmem>> -> memref<128xi32, #tpu.memory_space<vmem>>
    %dma_start3A_99 = arith.constant 0 : i32
    %dma_start3A_100 = arith.constant 0 : i32
    %dma_start3A_101 = tpu.memref_slice %arg3[%dma_start3A_99, %dma_start3A_100] : memref<100000x128xf32, #tpu.memory_space<hbm>> -> memref<100000x128xf32, #tpu.memory_space<hbm>>
    tpu.enqueue_indirect_dma source(%dma_start3A_101 : memref<100000x128xf32, #tpu.memory_space<hbm>>) target(%arg7 : memref<128x128xf32, #tpu.memory_space<vmem>>) offsets(%dma_start3A_98 : memref<128xi32, #tpu.memory_space<vmem>>) semaphore(%arg14 : memref<!tpu.dma_semaphore, #tpu.memory_space<semaphore_mem>>)
    %dma_wait3A_102 = arith.constant 2 : i32
    %dma_wait3A_103 = arith.constant 0 : i32
    %dma_wait3A_104 = tpu.memref_slice %arg5[%dma_wait3A_102, %dma_wait3A_103] : memref<50x128xi32, #tpu.memory_space<vmem>> -> memref<1x128xi32, #tpu.memory_space<vmem>>
    %dma_wait3A_105 = tpu.memref_squeeze %dma_wait3A_104 : memref<1x128xi32, #tpu.memory_space<vmem>> -> memref<128xi32, #tpu.memory_space<vmem>>
    %dma_wait3A_106 = arith.constant 0 : i32
    %dma_wait3A_107 = arith.constant 0 : i32
    %dma_wait3A_108 = tpu.memref_slice %arg3[%dma_wait3A_106, %dma_wait3A_107] : memref<100000x128xf32, #tpu.memory_space<hbm>> -> memref<100000x128xf32, #tpu.memory_space<hbm>>
    tpu.wait_indirect_dma semaphore(%arg15 : memref<!tpu.dma_semaphore, #tpu.memory_space<semaphore_mem>>) src(%dma_wait3A_108 : memref<100000x128xf32, #tpu.memory_space<hbm>>) dst(%arg8 : memref<128x128xf32, #tpu.memory_space<vmem>>)
    %add3A_109 = arith.constant 256 : i32
    %add3A_110 = arith.addi %mul3A_2, %add3A_109 : i32
    %dma_start3A_111 = arith.constant 0 : i32
    %dma_start3A_112 = tpu.memref_slice %arg4[%add3A_110, %dma_start3A_111] : memref<204800x128xf32, #tpu.memory_space<hbm>> -> memref<128x128xf32, #tpu.memory_space<hbm>>
    %dma_start3A_113 = arith.constant 0 : i32
    %dma_start3A_114 = tpu.memref_slice %arg4[%add3A_110, %dma_start3A_113] : memref<204800x128xf32, #tpu.memory_space<hbm>> -> memref<128x128xf32, #tpu.memory_space<hbm>>
    tpu.enqueue_dma source(%arg8 : memref<128x128xf32, #tpu.memory_space<vmem>>) target(%dma_start3A_114 : memref<128x128xf32, #tpu.memory_space<hbm>>) target_semaphore(%arg22 : memref<!tpu.dma_semaphore, #tpu.memory_space<semaphore_mem>>)
    %add3A_115 = arith.constant 256 : i32
    %add3A_116 = arith.addi %mul3A_2, %add3A_115 : i32
    %dma_wait3A_117 = arith.constant 0 : i32
    %dma_wait3A_118 = tpu.memref_slice %arg4[%add3A_116, %dma_wait3A_117] : memref<204800x128xf32, #tpu.memory_space<hbm>> -> memref<128x128xf32, #tpu.memory_space<hbm>>
    %dma_wait3A_119 = arith.constant 0 : i32
    %dma_wait3A_120 = tpu.memref_slice %arg4[%add3A_116, %dma_wait3A_119] : memref<204800x128xf32, #tpu.memory_space<hbm>> -> memref<128x128xf32, #tpu.memory_space<hbm>>
    tpu.wait_dma2 semaphore(%arg22 : memref<!tpu.dma_semaphore, #tpu.memory_space<semaphore_mem>>) src(%arg8 : memref<128x128xf32, #tpu.memory_space<vmem>>) dst(%dma_wait3A_120 : memref<128x128xf32, #tpu.memory_space<hbm>>)
    %dma_start3A_121 = arith.constant 9 : i32
    %dma_start3A_122 = arith.constant 0 : i32
    %dma_start3A_123 = tpu.memref_slice %arg5[%dma_start3A_121, %dma_start3A_122] : memref<50x128xi32, #tpu.memory_space<vmem>> -> memref<1x128xi32, #tpu.memory_space<vmem>>
    %dma_start3A_124 = tpu.memref_squeeze %dma_start3A_123 : memref<1x128xi32, #tpu.memory_space<vmem>> -> memref<128xi32, #tpu.memory_space<vmem>>
    %dma_start3A_125 = arith.constant 0 : i32
    %dma_start3A_126 = arith.constant 0 : i32
    %dma_start3A_127 = tpu.memref_slice %arg3[%dma_start3A_125, %dma_start3A_126] : memref<100000x128xf32, #tpu.memory_space<hbm>> -> memref<100000x128xf32, #tpu.memory_space<hbm>>
    tpu.enqueue_indirect_dma source(%dma_start3A_127 : memref<100000x128xf32, #tpu.memory_space<hbm>>) target(%arg8 : memref<128x128xf32, #tpu.memory_space<vmem>>) offsets(%dma_start3A_124 : memref<128xi32, #tpu.memory_space<vmem>>) semaphore(%arg15 : memref<!tpu.dma_semaphore, #tpu.memory_space<semaphore_mem>>)
    %dma_wait3A_128 = arith.constant 3 : i32
    %dma_wait3A_129 = arith.constant 0 : i32
    %dma_wait3A_130 = tpu.memref_slice %arg5[%dma_wait3A_128, %dma_wait3A_129] : memref<50x128xi32, #tpu.memory_space<vmem>> -> memref<1x128xi32, #tpu.memory_space<vmem>>
    %dma_wait3A_131 = tpu.memref_squeeze %dma_wait3A_130 : memref<1x128xi32, #tpu.memory_space<vmem>> -> memref<128xi32, #tpu.memory_space<vmem>>
    %dma_wait3A_132 = arith.constant 0 : i32
    %dma_wait3A_133 = arith.constant 0 : i32
    %dma_wait3A_134 = tpu.memref_slice %arg3[%dma_wait3A_132, %dma_wait3A_133] : memref<100000x128xf32, #tpu.memory_space<hbm>> -> memref<100000x128xf32, #tpu.memory_space<hbm>>
    tpu.wait_indirect_dma semaphore(%arg16 : memref<!tpu.dma_semaphore, #tpu.memory_space<semaphore_mem>>) src(%dma_wait3A_134 : memref<100000x128xf32, #tpu.memory_space<hbm>>) dst(%arg9 : memref<128x128xf32, #tpu.memory_space<vmem>>)
    %add3A_135 = arith.constant 384 : i32
    %add3A_136 = arith.addi %mul3A_2, %add3A_135 : i32
    %dma_start3A_137 = arith.constant 0 : i32
    %dma_start3A_138 = tpu.memref_slice %arg4[%add3A_136, %dma_start3A_137] : memref<204800x128xf32, #tpu.memory_space<hbm>> -> memref<128x128xf32, #tpu.memory_space<hbm>>
    %dma_start3A_139 = arith.constant 0 : i32
    %dma_start3A_140 = tpu.memref_slice %arg4[%add3A_136, %dma_start3A_139] : memref<204800x128xf32, #tpu.memory_space<hbm>> -> memref<128x128xf32, #tpu.memory_space<hbm>>
    tpu.enqueue_dma source(%arg9 : memref<128x128xf32, #tpu.memory_space<vmem>>) target(%dma_start3A_140 : memref<128x128xf32, #tpu.memory_space<hbm>>) target_semaphore(%arg23 : memref<!tpu.dma_semaphore, #tpu.memory_space<semaphore_mem>>)
    %add3A_141 = arith.constant 384 : i32
    %add3A_142 = arith.addi %mul3A_2, %add3A_141 : i32
    %dma_wait3A_143 = arith.constant 0 : i32
    %dma_wait3A_144 = tpu.memref_slice %arg4[%add3A_142, %dma_wait3A_143] : memref<204800x128xf32, #tpu.memory_space<hbm>> -> memref<128x128xf32, #tpu.memory_space<hbm>>
    %dma_wait3A_145 = arith.constant 0 : i32
    %dma_wait3A_146 = tpu.memref_slice %arg4[%add3A_142, %dma_wait3A_145] : memref<204800x128xf32, #tpu.memory_space<hbm>> -> memref<128x128xf32, #tpu.memory_space<hbm>>
    tpu.wait_dma2 semaphore(%arg23 : memref<!tpu.dma_semaphore, #tpu.memory_space<semaphore_mem>>) src(%arg9 : memref<128x128xf32, #tpu.memory_space<vmem>>) dst(%dma_wait3A_146 : memref<128x128xf32, #tpu.memory_space<hbm>>)
    %dma_start3A_147 = arith.constant 10 : i32
    %dma_start3A_148 = arith.constant 0 : i32
    %dma_start3A_149 = tpu.memref_slice %arg5[%dma_start3A_147, %dma_start3A_148] : memref<50x128xi32, #tpu.memory_space<vmem>> -> memref<1x128xi32, #tpu.memory_space<vmem>>
    %dma_start3A_150 = tpu.memref_squeeze %dma_start3A_149 : memref<1x128xi32, #tpu.memory_space<vmem>> -> memref<128xi32, #tpu.memory_space<vmem>>
    %dma_start3A_151 = arith.constant 0 : i32
    %dma_start3A_152 = arith.constant 0 : i32
    %dma_start3A_153 = tpu.memref_slice %arg3[%dma_start3A_151, %dma_start3A_152] : memref<100000x128xf32, #tpu.memory_space<hbm>> -> memref<100000x128xf32, #tpu.memory_space<hbm>>
    tpu.enqueue_indirect_dma source(%dma_start3A_153 : memref<100000x128xf32, #tpu.memory_space<hbm>>) target(%arg9 : memref<128x128xf32, #tpu.memory_space<vmem>>) offsets(%dma_start3A_150 : memref<128xi32, #tpu.memory_space<vmem>>) semaphore(%arg16 : memref<!tpu.dma_semaphore, #tpu.memory_space<semaphore_mem>>)
    %dma_wait3A_154 = arith.constant 4 : i32
    %dma_wait3A_155 = arith.constant 0 : i32
    %dma_wait3A_156 = tpu.memref_slice %arg5[%dma_wait3A_154, %dma_wait3A_155] : memref<50x128xi32, #tpu.memory_space<vmem>> -> memref<1x128xi32, #tpu.memory_space<vmem>>
    %dma_wait3A_157 = tpu.memref_squeeze %dma_wait3A_156 : memref<1x128xi32, #tpu.memory_space<vmem>> -> memref<128xi32, #tpu.memory_space<vmem>>
    %dma_wait3A_158 = arith.constant 0 : i32
    %dma_wait3A_159 = arith.constant 0 : i32
    %dma_wait3A_160 = tpu.memref_slice %arg3[%dma_wait3A_158, %dma_wait3A_159] : memref<100000x128xf32, #tpu.memory_space<hbm>> -> memref<100000x128xf32, #tpu.memory_space<hbm>>
    tpu.wait_indirect_dma semaphore(%arg17 : memref<!tpu.dma_semaphore, #tpu.memory_space<semaphore_mem>>) src(%dma_wait3A_160 : memref<100000x128xf32, #tpu.memory_space<hbm>>) dst(%arg10 : memref<128x128xf32, #tpu.memory_space<vmem>>)
    %add3A_161 = arith.constant 512 : i32
    %add3A_162 = arith.addi %mul3A_2, %add3A_161 : i32
    %dma_start3A_163 = arith.constant 0 : i32
    %dma_start3A_164 = tpu.memref_slice %arg4[%add3A_162, %dma_start3A_163] : memref<204800x128xf32, #tpu.memory_space<hbm>> -> memref<128x128xf32, #tpu.memory_space<hbm>>
    %dma_start3A_165 = arith.constant 0 : i32
    %dma_start3A_166 = tpu.memref_slice %arg4[%add3A_162, %dma_start3A_165] : memref<204800x128xf32, #tpu.memory_space<hbm>> -> memref<128x128xf32, #tpu.memory_space<hbm>>
    tpu.enqueue_dma source(%arg10 : memref<128x128xf32, #tpu.memory_space<vmem>>) target(%dma_start3A_166 : memref<128x128xf32, #tpu.memory_space<hbm>>) target_semaphore(%arg24 : memref<!tpu.dma_semaphore, #tpu.memory_space<semaphore_mem>>)
    %add3A_167 = arith.constant 512 : i32
    %add3A_168 = arith.addi %mul3A_2, %add3A_167 : i32
    %dma_wait3A_169 = arith.constant 0 : i32
    %dma_wait3A_170 = tpu.memref_slice %arg4[%add3A_168, %dma_wait3A_169] : memref<204800x128xf32, #tpu.memory_space<hbm>> -> memref<128x128xf32, #tpu.memory_space<hbm>>
    %dma_wait3A_171 = arith.constant 0 : i32
    %dma_wait3A_172 = tpu.memref_slice %arg4[%add3A_168, %dma_wait3A_171] : memref<204800x128xf32, #tpu.memory_space<hbm>> -> memref<128x128xf32, #tpu.memory_space<hbm>>
    tpu.wait_dma2 semaphore(%arg24 : memref<!tpu.dma_semaphore, #tpu.memory_space<semaphore_mem>>) src(%arg10 : memref<128x128xf32, #tpu.memory_space<vmem>>) dst(%dma_wait3A_172 : memref<128x128xf32, #tpu.memory_space<hbm>>)
    %dma_start3A_173 = arith.constant 11 : i32
    %dma_start3A_174 = arith.constant 0 : i32
    %dma_start3A_175 = tpu.memref_slice %arg5[%dma_start3A_173, %dma_start3A_174] : memref<50x128xi32, #tpu.memory_space<vmem>> -> memref<1x128xi32, #tpu.memory_space<vmem>>
    %dma_start3A_176 = tpu.memref_squeeze %dma_start3A_175 : memref<1x128xi32, #tpu.memory_space<vmem>> -> memref<128xi32, #tpu.memory_space<vmem>>
    %dma_start3A_177 = arith.constant 0 : i32
    %dma_start3A_178 = arith.constant 0 : i32
    %dma_start3A_179 = tpu.memref_slice %arg3[%dma_start3A_177, %dma_start3A_178] : memref<100000x128xf32, #tpu.memory_space<hbm>> -> memref<100000x128xf32, #tpu.memory_space<hbm>>
    tpu.enqueue_indirect_dma source(%dma_start3A_179 : memref<100000x128xf32, #tpu.memory_space<hbm>>) target(%arg10 : memref<128x128xf32, #tpu.memory_space<vmem>>) offsets(%dma_start3A_176 : memref<128xi32, #tpu.memory_space<vmem>>) semaphore(%arg17 : memref<!tpu.dma_semaphore, #tpu.memory_space<semaphore_mem>>)
    %dma_wait3A_180 = arith.constant 5 : i32
    %dma_wait3A_181 = arith.constant 0 : i32
    %dma_wait3A_182 = tpu.memref_slice %arg5[%dma_wait3A_180, %dma_wait3A_181] : memref<50x128xi32, #tpu.memory_space<vmem>> -> memref<1x128xi32, #tpu.memory_space<vmem>>
    %dma_wait3A_183 = tpu.memref_squeeze %dma_wait3A_182 : memref<1x128xi32, #tpu.memory_space<vmem>> -> memref<128xi32, #tpu.memory_space<vmem>>
    %dma_wait3A_184 = arith.constant 0 : i32
    %dma_wait3A_185 = arith.constant 0 : i32
    %dma_wait3A_186 = tpu.memref_slice %arg3[%dma_wait3A_184, %dma_wait3A_185] : memref<100000x128xf32, #tpu.memory_space<hbm>> -> memref<100000x128xf32, #tpu.memory_space<hbm>>
    tpu.wait_indirect_dma semaphore(%arg18 : memref<!tpu.dma_semaphore, #tpu.memory_space<semaphore_mem>>) src(%dma_wait3A_186 : memref<100000x128xf32, #tpu.memory_space<hbm>>) dst(%arg11 : memref<128x128xf32, #tpu.memory_space<vmem>>)
    %add3A_187 = arith.constant 640 : i32
    %add3A_188 = arith.addi %mul3A_2, %add3A_187 : i32
    %dma_start3A_189 = arith.constant 0 : i32
    %dma_start3A_190 = tpu.memref_slice %arg4[%add3A_188, %dma_start3A_189] : memref<204800x128xf32, #tpu.memory_space<hbm>> -> memref<128x128xf32, #tpu.memory_space<hbm>>
    %dma_start3A_191 = arith.constant 0 : i32
    %dma_start3A_192 = tpu.memref_slice %arg4[%add3A_188, %dma_start3A_191] : memref<204800x128xf32, #tpu.memory_space<hbm>> -> memref<128x128xf32, #tpu.memory_space<hbm>>
    tpu.enqueue_dma source(%arg11 : memref<128x128xf32, #tpu.memory_space<vmem>>) target(%dma_start3A_192 : memref<128x128xf32, #tpu.memory_space<hbm>>) target_semaphore(%arg25 : memref<!tpu.dma_semaphore, #tpu.memory_space<semaphore_mem>>)
    %add3A_193 = arith.constant 640 : i32
    %add3A_194 = arith.addi %mul3A_2, %add3A_193 : i32
    %dma_wait3A_195 = arith.constant 0 : i32
    %dma_wait3A_196 = tpu.memref_slice %arg4[%add3A_194, %dma_wait3A_195] : memref<204800x128xf32, #tpu.memory_space<hbm>> -> memref<128x128xf32, #tpu.memory_space<hbm>>
    %dma_wait3A_197 = arith.constant 0 : i32
    %dma_wait3A_198 = tpu.memref_slice %arg4[%add3A_194, %dma_wait3A_197] : memref<204800x128xf32, #tpu.memory_space<hbm>> -> memref<128x128xf32, #tpu.memory_space<hbm>>
    tpu.wait_dma2 semaphore(%arg25 : memref<!tpu.dma_semaphore, #tpu.memory_space<semaphore_mem>>) src(%arg11 : memref<128x128xf32, #tpu.memory_space<vmem>>) dst(%dma_wait3A_198 : memref<128x128xf32, #tpu.memory_space<hbm>>)
    %dma_start3A_199 = arith.constant 12 : i32
    %dma_start3A_200 = arith.constant 0 : i32
    %dma_start3A_201 = tpu.memref_slice %arg5[%dma_start3A_199, %dma_start3A_200] : memref<50x128xi32, #tpu.memory_space<vmem>> -> memref<1x128xi32, #tpu.memory_space<vmem>>
    %dma_start3A_202 = tpu.memref_squeeze %dma_start3A_201 : memref<1x128xi32, #tpu.memory_space<vmem>> -> memref<128xi32, #tpu.memory_space<vmem>>
    %dma_start3A_203 = arith.constant 0 : i32
    %dma_start3A_204 = arith.constant 0 : i32
    %dma_start3A_205 = tpu.memref_slice %arg3[%dma_start3A_203, %dma_start3A_204] : memref<100000x128xf32, #tpu.memory_space<hbm>> -> memref<100000x128xf32, #tpu.memory_space<hbm>>
    tpu.enqueue_indirect_dma source(%dma_start3A_205 : memref<100000x128xf32, #tpu.memory_space<hbm>>) target(%arg11 : memref<128x128xf32, #tpu.memory_space<vmem>>) offsets(%dma_start3A_202 : memref<128xi32, #tpu.memory_space<vmem>>) semaphore(%arg18 : memref<!tpu.dma_semaphore, #tpu.memory_space<semaphore_mem>>)
    %dma_wait3A_206 = arith.constant 6 : i32
    %dma_wait3A_207 = arith.constant 0 : i32
    %dma_wait3A_208 = tpu.memref_slice %arg5[%dma_wait3A_206, %dma_wait3A_207] : memref<50x128xi32, #tpu.memory_space<vmem>> -> memref<1x128xi32, #tpu.memory_space<vmem>>
    %dma_wait3A_209 = tpu.memref_squeeze %dma_wait3A_208 : memref<1x128xi32, #tpu.memory_space<vmem>> -> memref<128xi32, #tpu.memory_space<vmem>>
    %dma_wait3A_210 = arith.constant 0 : i32
    %dma_wait3A_211 = arith.constant 0 : i32
    %dma_wait3A_212 = tpu.memref_slice %arg3[%dma_wait3A_210, %dma_wait3A_211] : memref<100000x128xf32, #tpu.memory_space<hbm>> -> memref<100000x128xf32, #tpu.memory_space<hbm>>
    tpu.wait_indirect_dma semaphore(%arg19 : memref<!tpu.dma_semaphore, #tpu.memory_space<semaphore_mem>>) src(%dma_wait3A_212 : memref<100000x128xf32, #tpu.memory_space<hbm>>) dst(%arg12 : memref<128x128xf32, #tpu.memory_space<vmem>>)
    %add3A_213 = arith.constant 768 : i32
    %add3A_214 = arith.addi %mul3A_2, %add3A_213 : i32
    %dma_start3A_215 = arith.constant 0 : i32
    %dma_start3A_216 = tpu.memref_slice %arg4[%add3A_214, %dma_start3A_215] : memref<204800x128xf32, #tpu.memory_space<hbm>> -> memref<128x128xf32, #tpu.memory_space<hbm>>
    %dma_start3A_217 = arith.constant 0 : i32
    %dma_start3A_218 = tpu.memref_slice %arg4[%add3A_214, %dma_start3A_217] : memref<204800x128xf32, #tpu.memory_space<hbm>> -> memref<128x128xf32, #tpu.memory_space<hbm>>
    tpu.enqueue_dma source(%arg12 : memref<128x128xf32, #tpu.memory_space<vmem>>) target(%dma_start3A_218 : memref<128x128xf32, #tpu.memory_space<hbm>>) target_semaphore(%arg26 : memref<!tpu.dma_semaphore, #tpu.memory_space<semaphore_mem>>)
    %add3A_219 = arith.constant 768 : i32
    %add3A_220 = arith.addi %mul3A_2, %add3A_219 : i32
    %dma_wait3A_221 = arith.constant 0 : i32
    %dma_wait3A_222 = tpu.memref_slice %arg4[%add3A_220, %dma_wait3A_221] : memref<204800x128xf32, #tpu.memory_space<hbm>> -> memref<128x128xf32, #tpu.memory_space<hbm>>
    %dma_wait3A_223 = arith.constant 0 : i32
    %dma_wait3A_224 = tpu.memref_slice %arg4[%add3A_220, %dma_wait3A_223] : memref<204800x128xf32, #tpu.memory_space<hbm>> -> memref<128x128xf32, #tpu.memory_space<hbm>>
    tpu.wait_dma2 semaphore(%arg26 : memref<!tpu.dma_semaphore, #tpu.memory_space<semaphore_mem>>) src(%arg12 : memref<128x128xf32, #tpu.memory_space<vmem>>) dst(%dma_wait3A_224 : memref<128x128xf32, #tpu.memory_space<hbm>>)
    %dma_start3A_225 = arith.constant 13 : i32
    %dma_start3A_226 = arith.constant 0 : i32
    %dma_start3A_227 = tpu.memref_slice %arg5[%dma_start3A_225, %dma_start3A_226] : memref<50x128xi32, #tpu.memory_space<vmem>> -> memref<1x128xi32, #tpu.memory_space<vmem>>
    %dma_start3A_228 = tpu.memref_squeeze %dma_start3A_227 : memref<1x128xi32, #tpu.memory_space<vmem>> -> memref<128xi32, #tpu.memory_space<vmem>>
    %dma_start3A_229 = arith.constant 0 : i32
    %dma_start3A_230 = arith.constant 0 : i32
    %dma_start3A_231 = tpu.memref_slice %arg3[%dma_start3A_229, %dma_start3A_230] : memref<100000x128xf32, #tpu.memory_space<hbm>> -> memref<100000x128xf32, #tpu.memory_space<hbm>>
    tpu.enqueue_indirect_dma source(%dma_start3A_231 : memref<100000x128xf32, #tpu.memory_space<hbm>>) target(%arg12 : memref<128x128xf32, #tpu.memory_space<vmem>>) offsets(%dma_start3A_228 : memref<128xi32, #tpu.memory_space<vmem>>) semaphore(%arg19 : memref<!tpu.dma_semaphore, #tpu.memory_space<semaphore_mem>>)
    %dma_wait3A_232 = arith.constant 7 : i32
    %dma_wait3A_233 = arith.constant 0 : i32
    %dma_wait3A_234 = tpu.memref_slice %arg5[%dma_wait3A_232, %dma_wait3A_233] : memref<50x128xi32, #tpu.memory_space<vmem>> -> memref<1x128xi32, #tpu.memory_space<vmem>>
    %dma_wait3A_235 = tpu.memref_squeeze %dma_wait3A_234 : memref<1x128xi32, #tpu.memory_space<vmem>> -> memref<128xi32, #tpu.memory_space<vmem>>
    %dma_wait3A_236 = arith.constant 0 : i32
    %dma_wait3A_237 = arith.constant 0 : i32
    %dma_wait3A_238 = tpu.memref_slice %arg3[%dma_wait3A_236, %dma_wait3A_237] : memref<100000x128xf32, #tpu.memory_space<hbm>> -> memref<100000x128xf32, #tpu.memory_space<hbm>>
    tpu.wait_indirect_dma semaphore(%arg13 : memref<!tpu.dma_semaphore, #tpu.memory_space<semaphore_mem>>) src(%dma_wait3A_238 : memref<100000x128xf32, #tpu.memory_space<hbm>>) dst(%arg6 : memref<128x128xf32, #tpu.memory_space<vmem>>)
    %add3A_239 = arith.constant 896 : i32
    %add3A_240 = arith.addi %mul3A_2, %add3A_239 : i32
    %dma_start3A_241 = arith.constant 0 : i32
    %dma_start3A_242 = tpu.memref_slice %arg4[%add3A_240, %dma_start3A_241] : memref<204800x128xf32, #tpu.memory_space<hbm>> -> memref<128x128xf32, #tpu.memory_space<hbm>>
    %dma_start3A_243 = arith.constant 0 : i32
    %dma_start3A_244 = tpu.memref_slice %arg4[%add3A_240, %dma_start3A_243] : memref<204800x128xf32, #tpu.memory_space<hbm>> -> memref<128x128xf32, #tpu.memory_space<hbm>>
    tpu.enqueue_dma source(%arg6 : memref<128x128xf32, #tpu.memory_space<vmem>>) target(%dma_start3A_244 : memref<128x128xf32, #tpu.memory_space<hbm>>) target_semaphore(%arg20 : memref<!tpu.dma_semaphore, #tpu.memory_space<semaphore_mem>>)
    %scan3A = arith.constant 0 : i32
    %scan3A_245 = arith.constant 0 : i32
    %scan3A_246 = arith.constant 5 : i32
    %scan3A_247 = arith.addi %scan3A_245, %scan3A_246 : i32
    %scan3A_248 = arith.constant 1 : i32
    scf.for %scan3A_396 = %scan3A_245 to %scan3A_247 step %scan3A_248  : i32 {
      %mul3A_397 = arith.constant 7 : i32
      %mul3A_398 = arith.muli %mul3A_397, %scan3A_396 : i32
      %add3A_399 = arith.constant 8 : i32
      %add3A_400 = arith.addi %add3A_399, %mul3A_398 : i32
      %add3A_401 = arith.constant 0 : i32
      %add3A_402 = arith.addi %add3A_400, %add3A_401 : i32
      %add3A_403 = arith.constant 6 : i32
      %add3A_404 = arith.addi %add3A_402, %add3A_403 : i32
      %sub3A = arith.constant 7 : i32
      %sub3A_405 = arith.subi %add3A_404, %sub3A : i32
      %mul3A_406 = arith.constant 128 : i32
      %mul3A_407 = arith.muli %sub3A_405, %mul3A_406 : i32
      %add3A_408 = arith.addi %mul3A_2, %mul3A_407 : i32
      %dma_wait3A_409 = arith.constant 0 : i32
      %dma_wait3A_410 = tpu.memref_slice %arg4[%add3A_408, %dma_wait3A_409] : memref<204800x128xf32, #tpu.memory_space<hbm>> -> memref<128x128xf32, #tpu.memory_space<hbm>>
      %dma_wait3A_411 = arith.constant 0 : i32
      %dma_wait3A_412 = tpu.memref_slice %arg4[%add3A_408, %dma_wait3A_411] : memref<204800x128xf32, #tpu.memory_space<hbm>> -> memref<128x128xf32, #tpu.memory_space<hbm>>
      tpu.wait_dma2 semaphore(%arg20 : memref<!tpu.dma_semaphore, #tpu.memory_space<semaphore_mem>>) src(%arg6 : memref<128x128xf32, #tpu.memory_space<vmem>>) dst(%dma_wait3A_412 : memref<128x128xf32, #tpu.memory_space<hbm>>)
      %add3A_413 = arith.constant 6 : i32
      %add3A_414 = arith.addi %add3A_402, %add3A_413 : i32
      %dma_start3A_415 = arith.constant 0 : i32
      %dma_start3A_416 = tpu.memref_slice %arg5[%add3A_414, %dma_start3A_415] : memref<50x128xi32, #tpu.memory_space<vmem>> -> memref<1x128xi32, #tpu.memory_space<vmem>>
      %dma_start3A_417 = tpu.memref_squeeze %dma_start3A_416 : memref<1x128xi32, #tpu.memory_space<vmem>> -> memref<128xi32, #tpu.memory_space<vmem>>
      %dma_start3A_418 = arith.constant 0 : i32
      %dma_start3A_419 = arith.constant 0 : i32
      %dma_start3A_420 = tpu.memref_slice %arg3[%dma_start3A_418, %dma_start3A_419] : memref<100000x128xf32, #tpu.memory_space<hbm>> -> memref<100000x128xf32, #tpu.memory_space<hbm>>
      tpu.enqueue_indirect_dma source(%dma_start3A_420 : memref<100000x128xf32, #tpu.memory_space<hbm>>) target(%arg6 : memref<128x128xf32, #tpu.memory_space<vmem>>) offsets(%dma_start3A_417 : memref<128xi32, #tpu.memory_space<vmem>>) semaphore(%arg13 : memref<!tpu.dma_semaphore, #tpu.memory_space<semaphore_mem>>)
      %dma_wait3A_421 = arith.constant 0 : i32
      %dma_wait3A_422 = tpu.memref_slice %arg5[%add3A_402, %dma_wait3A_421] : memref<50x128xi32, #tpu.memory_space<vmem>> -> memref<1x128xi32, #tpu.memory_space<vmem>>
      %dma_wait3A_423 = tpu.memref_squeeze %dma_wait3A_422 : memref<1x128xi32, #tpu.memory_space<vmem>> -> memref<128xi32, #tpu.memory_space<vmem>>
      %dma_wait3A_424 = arith.constant 0 : i32
      %dma_wait3A_425 = arith.constant 0 : i32
      %dma_wait3A_426 = tpu.memref_slice %arg3[%dma_wait3A_424, %dma_wait3A_425] : memref<100000x128xf32, #tpu.memory_space<hbm>> -> memref<100000x128xf32, #tpu.memory_space<hbm>>
      tpu.wait_indirect_dma semaphore(%arg14 : memref<!tpu.dma_semaphore, #tpu.memory_space<semaphore_mem>>) src(%dma_wait3A_426 : memref<100000x128xf32, #tpu.memory_space<hbm>>) dst(%arg7 : memref<128x128xf32, #tpu.memory_space<vmem>>)
      %mul3A_427 = arith.constant 128 : i32
      %mul3A_428 = arith.muli %add3A_402, %mul3A_427 : i32
      %add3A_429 = arith.addi %mul3A_2, %mul3A_428 : i32
      %dma_start3A_430 = arith.constant 0 : i32
      %dma_start3A_431 = tpu.memref_slice %arg4[%add3A_429, %dma_start3A_430] : memref<204800x128xf32, #tpu.memory_space<hbm>> -> memref<128x128xf32, #tpu.memory_space<hbm>>
      %dma_start3A_432 = arith.constant 0 : i32
      %dma_start3A_433 = tpu.memref_slice %arg4[%add3A_429, %dma_start3A_432] : memref<204800x128xf32, #tpu.memory_space<hbm>> -> memref<128x128xf32, #tpu.memory_space<hbm>>
      tpu.enqueue_dma source(%arg7 : memref<128x128xf32, #tpu.memory_space<vmem>>) target(%dma_start3A_433 : memref<128x128xf32, #tpu.memory_space<hbm>>) target_semaphore(%arg21 : memref<!tpu.dma_semaphore, #tpu.memory_space<semaphore_mem>>)
      %mul3A_434 = arith.constant 7 : i32
      %mul3A_435 = arith.muli %mul3A_434, %scan3A_396 : i32
      %add3A_436 = arith.constant 8 : i32
      %add3A_437 = arith.addi %add3A_436, %mul3A_435 : i32
      %add3A_438 = arith.constant 1 : i32
      %add3A_439 = arith.addi %add3A_437, %add3A_438 : i32
      %add3A_440 = arith.constant 6 : i32
      %add3A_441 = arith.addi %add3A_439, %add3A_440 : i32
      %sub3A_442 = arith.constant 7 : i32
      %sub3A_443 = arith.subi %add3A_441, %sub3A_442 : i32
      %mul3A_444 = arith.constant 128 : i32
      %mul3A_445 = arith.muli %sub3A_443, %mul3A_444 : i32
      %add3A_446 = arith.addi %mul3A_2, %mul3A_445 : i32
      %dma_wait3A_447 = arith.constant 0 : i32
      %dma_wait3A_448 = tpu.memref_slice %arg4[%add3A_446, %dma_wait3A_447] : memref<204800x128xf32, #tpu.memory_space<hbm>> -> memref<128x128xf32, #tpu.memory_space<hbm>>
      %dma_wait3A_449 = arith.constant 0 : i32
      %dma_wait3A_450 = tpu.memref_slice %arg4[%add3A_446, %dma_wait3A_449] : memref<204800x128xf32, #tpu.memory_space<hbm>> -> memref<128x128xf32, #tpu.memory_space<hbm>>
      tpu.wait_dma2 semaphore(%arg21 : memref<!tpu.dma_semaphore, #tpu.memory_space<semaphore_mem>>) src(%arg7 : memref<128x128xf32, #tpu.memory_space<vmem>>) dst(%dma_wait3A_450 : memref<128x128xf32, #tpu.memory_space<hbm>>)
      %add3A_451 = arith.constant 6 : i32
      %add3A_452 = arith.addi %add3A_439, %add3A_451 : i32
      %dma_start3A_453 = arith.constant 0 : i32
      %dma_start3A_454 = tpu.memref_slice %arg5[%add3A_452, %dma_start3A_453] : memref<50x128xi32, #tpu.memory_space<vmem>> -> memref<1x128xi32, #tpu.memory_space<vmem>>
      %dma_start3A_455 = tpu.memref_squeeze %dma_start3A_454 : memref<1x128xi32, #tpu.memory_space<vmem>> -> memref<128xi32, #tpu.memory_space<vmem>>
      %dma_start3A_456 = arith.constant 0 : i32
      %dma_start3A_457 = arith.constant 0 : i32
      %dma_start3A_458 = tpu.memref_slice %arg3[%dma_start3A_456, %dma_start3A_457] : memref<100000x128xf32, #tpu.memory_space<hbm>> -> memref<100000x128xf32, #tpu.memory_space<hbm>>
      tpu.enqueue_indirect_dma source(%dma_start3A_458 : memref<100000x128xf32, #tpu.memory_space<hbm>>) target(%arg7 : memref<128x128xf32, #tpu.memory_space<vmem>>) offsets(%dma_start3A_455 : memref<128xi32, #tpu.memory_space<vmem>>) semaphore(%arg14 : memref<!tpu.dma_semaphore, #tpu.memory_space<semaphore_mem>>)
      %dma_wait3A_459 = arith.constant 0 : i32
      %dma_wait3A_460 = tpu.memref_slice %arg5[%add3A_439, %dma_wait3A_459] : memref<50x128xi32, #tpu.memory_space<vmem>> -> memref<1x128xi32, #tpu.memory_space<vmem>>
      %dma_wait3A_461 = tpu.memref_squeeze %dma_wait3A_460 : memref<1x128xi32, #tpu.memory_space<vmem>> -> memref<128xi32, #tpu.memory_space<vmem>>
      %dma_wait3A_462 = arith.constant 0 : i32
      %dma_wait3A_463 = arith.constant 0 : i32
      %dma_wait3A_464 = tpu.memref_slice %arg3[%dma_wait3A_462, %dma_wait3A_463] : memref<100000x128xf32, #tpu.memory_space<hbm>> -> memref<100000x128xf32, #tpu.memory_space<hbm>>
      tpu.wait_indirect_dma semaphore(%arg15 : memref<!tpu.dma_semaphore, #tpu.memory_space<semaphore_mem>>) src(%dma_wait3A_464 : memref<100000x128xf32, #tpu.memory_space<hbm>>) dst(%arg8 : memref<128x128xf32, #tpu.memory_space<vmem>>)
      %mul3A_465 = arith.constant 128 : i32
      %mul3A_466 = arith.muli %add3A_439, %mul3A_465 : i32
      %add3A_467 = arith.addi %mul3A_2, %mul3A_466 : i32
      %dma_start3A_468 = arith.constant 0 : i32
      %dma_start3A_469 = tpu.memref_slice %arg4[%add3A_467, %dma_start3A_468] : memref<204800x128xf32, #tpu.memory_space<hbm>> -> memref<128x128xf32, #tpu.memory_space<hbm>>
      %dma_start3A_470 = arith.constant 0 : i32
      %dma_start3A_471 = tpu.memref_slice %arg4[%add3A_467, %dma_start3A_470] : memref<204800x128xf32, #tpu.memory_space<hbm>> -> memref<128x128xf32, #tpu.memory_space<hbm>>
      tpu.enqueue_dma source(%arg8 : memref<128x128xf32, #tpu.memory_space<vmem>>) target(%dma_start3A_471 : memref<128x128xf32, #tpu.memory_space<hbm>>) target_semaphore(%arg22 : memref<!tpu.dma_semaphore, #tpu.memory_space<semaphore_mem>>)
      %mul3A_472 = arith.constant 7 : i32
      %mul3A_473 = arith.muli %mul3A_472, %scan3A_396 : i32
      %add3A_474 = arith.constant 8 : i32
      %add3A_475 = arith.addi %add3A_474, %mul3A_473 : i32
      %add3A_476 = arith.constant 2 : i32
      %add3A_477 = arith.addi %add3A_475, %add3A_476 : i32
      %add3A_478 = arith.constant 6 : i32
      %add3A_479 = arith.addi %add3A_477, %add3A_478 : i32
      %sub3A_480 = arith.constant 7 : i32
      %sub3A_481 = arith.subi %add3A_479, %sub3A_480 : i32
      %mul3A_482 = arith.constant 128 : i32
      %mul3A_483 = arith.muli %sub3A_481, %mul3A_482 : i32
      %add3A_484 = arith.addi %mul3A_2, %mul3A_483 : i32
      %dma_wait3A_485 = arith.constant 0 : i32
      %dma_wait3A_486 = tpu.memref_slice %arg4[%add3A_484, %dma_wait3A_485] : memref<204800x128xf32, #tpu.memory_space<hbm>> -> memref<128x128xf32, #tpu.memory_space<hbm>>
      %dma_wait3A_487 = arith.constant 0 : i32
      %dma_wait3A_488 = tpu.memref_slice %arg4[%add3A_484, %dma_wait3A_487] : memref<204800x128xf32, #tpu.memory_space<hbm>> -> memref<128x128xf32, #tpu.memory_space<hbm>>
      tpu.wait_dma2 semaphore(%arg22 : memref<!tpu.dma_semaphore, #tpu.memory_space<semaphore_mem>>) src(%arg8 : memref<128x128xf32, #tpu.memory_space<vmem>>) dst(%dma_wait3A_488 : memref<128x128xf32, #tpu.memory_space<hbm>>)
      %add3A_489 = arith.constant 6 : i32
      %add3A_490 = arith.addi %add3A_477, %add3A_489 : i32
      %dma_start3A_491 = arith.constant 0 : i32
      %dma_start3A_492 = tpu.memref_slice %arg5[%add3A_490, %dma_start3A_491] : memref<50x128xi32, #tpu.memory_space<vmem>> -> memref<1x128xi32, #tpu.memory_space<vmem>>
      %dma_start3A_493 = tpu.memref_squeeze %dma_start3A_492 : memref<1x128xi32, #tpu.memory_space<vmem>> -> memref<128xi32, #tpu.memory_space<vmem>>
      %dma_start3A_494 = arith.constant 0 : i32
      %dma_start3A_495 = arith.constant 0 : i32
      %dma_start3A_496 = tpu.memref_slice %arg3[%dma_start3A_494, %dma_start3A_495] : memref<100000x128xf32, #tpu.memory_space<hbm>> -> memref<100000x128xf32, #tpu.memory_space<hbm>>
      tpu.enqueue_indirect_dma source(%dma_start3A_496 : memref<100000x128xf32, #tpu.memory_space<hbm>>) target(%arg8 : memref<128x128xf32, #tpu.memory_space<vmem>>) offsets(%dma_start3A_493 : memref<128xi32, #tpu.memory_space<vmem>>) semaphore(%arg15 : memref<!tpu.dma_semaphore, #tpu.memory_space<semaphore_mem>>)
      %dma_wait3A_497 = arith.constant 0 : i32
      %dma_wait3A_498 = tpu.memref_slice %arg5[%add3A_477, %dma_wait3A_497] : memref<50x128xi32, #tpu.memory_space<vmem>> -> memref<1x128xi32, #tpu.memory_space<vmem>>
      %dma_wait3A_499 = tpu.memref_squeeze %dma_wait3A_498 : memref<1x128xi32, #tpu.memory_space<vmem>> -> memref<128xi32, #tpu.memory_space<vmem>>
      %dma_wait3A_500 = arith.constant 0 : i32
      %dma_wait3A_501 = arith.constant 0 : i32
      %dma_wait3A_502 = tpu.memref_slice %arg3[%dma_wait3A_500, %dma_wait3A_501] : memref<100000x128xf32, #tpu.memory_space<hbm>> -> memref<100000x128xf32, #tpu.memory_space<hbm>>
      tpu.wait_indirect_dma semaphore(%arg16 : memref<!tpu.dma_semaphore, #tpu.memory_space<semaphore_mem>>) src(%dma_wait3A_502 : memref<100000x128xf32, #tpu.memory_space<hbm>>) dst(%arg9 : memref<128x128xf32, #tpu.memory_space<vmem>>)
      %mul3A_503 = arith.constant 128 : i32
      %mul3A_504 = arith.muli %add3A_477, %mul3A_503 : i32
      %add3A_505 = arith.addi %mul3A_2, %mul3A_504 : i32
      %dma_start3A_506 = arith.constant 0 : i32
      %dma_start3A_507 = tpu.memref_slice %arg4[%add3A_505, %dma_start3A_506] : memref<204800x128xf32, #tpu.memory_space<hbm>> -> memref<128x128xf32, #tpu.memory_space<hbm>>
      %dma_start3A_508 = arith.constant 0 : i32
      %dma_start3A_509 = tpu.memref_slice %arg4[%add3A_505, %dma_start3A_508] : memref<204800x128xf32, #tpu.memory_space<hbm>> -> memref<128x128xf32, #tpu.memory_space<hbm>>
      tpu.enqueue_dma source(%arg9 : memref<128x128xf32, #tpu.memory_space<vmem>>) target(%dma_start3A_509 : memref<128x128xf32, #tpu.memory_space<hbm>>) target_semaphore(%arg23 : memref<!tpu.dma_semaphore, #tpu.memory_space<semaphore_mem>>)
      %mul3A_510 = arith.constant 7 : i32
      %mul3A_511 = arith.muli %mul3A_510, %scan3A_396 : i32
      %add3A_512 = arith.constant 8 : i32
      %add3A_513 = arith.addi %add3A_512, %mul3A_511 : i32
      %add3A_514 = arith.constant 3 : i32
      %add3A_515 = arith.addi %add3A_513, %add3A_514 : i32
      %add3A_516 = arith.constant 6 : i32
      %add3A_517 = arith.addi %add3A_515, %add3A_516 : i32
      %sub3A_518 = arith.constant 7 : i32
      %sub3A_519 = arith.subi %add3A_517, %sub3A_518 : i32
      %mul3A_520 = arith.constant 128 : i32
      %mul3A_521 = arith.muli %sub3A_519, %mul3A_520 : i32
      %add3A_522 = arith.addi %mul3A_2, %mul3A_521 : i32
      %dma_wait3A_523 = arith.constant 0 : i32
      %dma_wait3A_524 = tpu.memref_slice %arg4[%add3A_522, %dma_wait3A_523] : memref<204800x128xf32, #tpu.memory_space<hbm>> -> memref<128x128xf32, #tpu.memory_space<hbm>>
      %dma_wait3A_525 = arith.constant 0 : i32
      %dma_wait3A_526 = tpu.memref_slice %arg4[%add3A_522, %dma_wait3A_525] : memref<204800x128xf32, #tpu.memory_space<hbm>> -> memref<128x128xf32, #tpu.memory_space<hbm>>
      tpu.wait_dma2 semaphore(%arg23 : memref<!tpu.dma_semaphore, #tpu.memory_space<semaphore_mem>>) src(%arg9 : memref<128x128xf32, #tpu.memory_space<vmem>>) dst(%dma_wait3A_526 : memref<128x128xf32, #tpu.memory_space<hbm>>)
      %add3A_527 = arith.constant 6 : i32
      %add3A_528 = arith.addi %add3A_515, %add3A_527 : i32
      %dma_start3A_529 = arith.constant 0 : i32
      %dma_start3A_530 = tpu.memref_slice %arg5[%add3A_528, %dma_start3A_529] : memref<50x128xi32, #tpu.memory_space<vmem>> -> memref<1x128xi32, #tpu.memory_space<vmem>>
      %dma_start3A_531 = tpu.memref_squeeze %dma_start3A_530 : memref<1x128xi32, #tpu.memory_space<vmem>> -> memref<128xi32, #tpu.memory_space<vmem>>
      %dma_start3A_532 = arith.constant 0 : i32
      %dma_start3A_533 = arith.constant 0 : i32
      %dma_start3A_534 = tpu.memref_slice %arg3[%dma_start3A_532, %dma_start3A_533] : memref<100000x128xf32, #tpu.memory_space<hbm>> -> memref<100000x128xf32, #tpu.memory_space<hbm>>
      tpu.enqueue_indirect_dma source(%dma_start3A_534 : memref<100000x128xf32, #tpu.memory_space<hbm>>) target(%arg9 : memref<128x128xf32, #tpu.memory_space<vmem>>) offsets(%dma_start3A_531 : memref<128xi32, #tpu.memory_space<vmem>>) semaphore(%arg16 : memref<!tpu.dma_semaphore, #tpu.memory_space<semaphore_mem>>)
      %dma_wait3A_535 = arith.constant 0 : i32
      %dma_wait3A_536 = tpu.memref_slice %arg5[%add3A_515, %dma_wait3A_535] : memref<50x128xi32, #tpu.memory_space<vmem>> -> memref<1x128xi32, #tpu.memory_space<vmem>>
      %dma_wait3A_537 = tpu.memref_squeeze %dma_wait3A_536 : memref<1x128xi32, #tpu.memory_space<vmem>> -> memref<128xi32, #tpu.memory_space<vmem>>
      %dma_wait3A_538 = arith.constant 0 : i32
      %dma_wait3A_539 = arith.constant 0 : i32
      %dma_wait3A_540 = tpu.memref_slice %arg3[%dma_wait3A_538, %dma_wait3A_539] : memref<100000x128xf32, #tpu.memory_space<hbm>> -> memref<100000x128xf32, #tpu.memory_space<hbm>>
      tpu.wait_indirect_dma semaphore(%arg17 : memref<!tpu.dma_semaphore, #tpu.memory_space<semaphore_mem>>) src(%dma_wait3A_540 : memref<100000x128xf32, #tpu.memory_space<hbm>>) dst(%arg10 : memref<128x128xf32, #tpu.memory_space<vmem>>)
      %mul3A_541 = arith.constant 128 : i32
      %mul3A_542 = arith.muli %add3A_515, %mul3A_541 : i32
      %add3A_543 = arith.addi %mul3A_2, %mul3A_542 : i32
      %dma_start3A_544 = arith.constant 0 : i32
      %dma_start3A_545 = tpu.memref_slice %arg4[%add3A_543, %dma_start3A_544] : memref<204800x128xf32, #tpu.memory_space<hbm>> -> memref<128x128xf32, #tpu.memory_space<hbm>>
      %dma_start3A_546 = arith.constant 0 : i32
      %dma_start3A_547 = tpu.memref_slice %arg4[%add3A_543, %dma_start3A_546] : memref<204800x128xf32, #tpu.memory_space<hbm>> -> memref<128x128xf32, #tpu.memory_space<hbm>>
      tpu.enqueue_dma source(%arg10 : memref<128x128xf32, #tpu.memory_space<vmem>>) target(%dma_start3A_547 : memref<128x128xf32, #tpu.memory_space<hbm>>) target_semaphore(%arg24 : memref<!tpu.dma_semaphore, #tpu.memory_space<semaphore_mem>>)
      %mul3A_548 = arith.constant 7 : i32
      %mul3A_549 = arith.muli %mul3A_548, %scan3A_396 : i32
      %add3A_550 = arith.constant 8 : i32
      %add3A_551 = arith.addi %add3A_550, %mul3A_549 : i32
      %add3A_552 = arith.constant 4 : i32
      %add3A_553 = arith.addi %add3A_551, %add3A_552 : i32
      %add3A_554 = arith.constant 6 : i32
      %add3A_555 = arith.addi %add3A_553, %add3A_554 : i32
      %sub3A_556 = arith.constant 7 : i32
      %sub3A_557 = arith.subi %add3A_555, %sub3A_556 : i32
      %mul3A_558 = arith.constant 128 : i32
      %mul3A_559 = arith.muli %sub3A_557, %mul3A_558 : i32
      %add3A_560 = arith.addi %mul3A_2, %mul3A_559 : i32
      %dma_wait3A_561 = arith.constant 0 : i32
      %dma_wait3A_562 = tpu.memref_slice %arg4[%add3A_560, %dma_wait3A_561] : memref<204800x128xf32, #tpu.memory_space<hbm>> -> memref<128x128xf32, #tpu.memory_space<hbm>>
      %dma_wait3A_563 = arith.constant 0 : i32
      %dma_wait3A_564 = tpu.memref_slice %arg4[%add3A_560, %dma_wait3A_563] : memref<204800x128xf32, #tpu.memory_space<hbm>> -> memref<128x128xf32, #tpu.memory_space<hbm>>
      tpu.wait_dma2 semaphore(%arg24 : memref<!tpu.dma_semaphore, #tpu.memory_space<semaphore_mem>>) src(%arg10 : memref<128x128xf32, #tpu.memory_space<vmem>>) dst(%dma_wait3A_564 : memref<128x128xf32, #tpu.memory_space<hbm>>)
      %add3A_565 = arith.constant 6 : i32
      %add3A_566 = arith.addi %add3A_553, %add3A_565 : i32
      %dma_start3A_567 = arith.constant 0 : i32
      %dma_start3A_568 = tpu.memref_slice %arg5[%add3A_566, %dma_start3A_567] : memref<50x128xi32, #tpu.memory_space<vmem>> -> memref<1x128xi32, #tpu.memory_space<vmem>>
      %dma_start3A_569 = tpu.memref_squeeze %dma_start3A_568 : memref<1x128xi32, #tpu.memory_space<vmem>> -> memref<128xi32, #tpu.memory_space<vmem>>
      %dma_start3A_570 = arith.constant 0 : i32
      %dma_start3A_571 = arith.constant 0 : i32
      %dma_start3A_572 = tpu.memref_slice %arg3[%dma_start3A_570, %dma_start3A_571] : memref<100000x128xf32, #tpu.memory_space<hbm>> -> memref<100000x128xf32, #tpu.memory_space<hbm>>
      tpu.enqueue_indirect_dma source(%dma_start3A_572 : memref<100000x128xf32, #tpu.memory_space<hbm>>) target(%arg10 : memref<128x128xf32, #tpu.memory_space<vmem>>) offsets(%dma_start3A_569 : memref<128xi32, #tpu.memory_space<vmem>>) semaphore(%arg17 : memref<!tpu.dma_semaphore, #tpu.memory_space<semaphore_mem>>)
      %dma_wait3A_573 = arith.constant 0 : i32
      %dma_wait3A_574 = tpu.memref_slice %arg5[%add3A_553, %dma_wait3A_573] : memref<50x128xi32, #tpu.memory_space<vmem>> -> memref<1x128xi32, #tpu.memory_space<vmem>>
      %dma_wait3A_575 = tpu.memref_squeeze %dma_wait3A_574 : memref<1x128xi32, #tpu.memory_space<vmem>> -> memref<128xi32, #tpu.memory_space<vmem>>
      %dma_wait3A_576 = arith.constant 0 : i32
      %dma_wait3A_577 = arith.constant 0 : i32
      %dma_wait3A_578 = tpu.memref_slice %arg3[%dma_wait3A_576, %dma_wait3A_577] : memref<100000x128xf32, #tpu.memory_space<hbm>> -> memref<100000x128xf32, #tpu.memory_space<hbm>>
      tpu.wait_indirect_dma semaphore(%arg18 : memref<!tpu.dma_semaphore, #tpu.memory_space<semaphore_mem>>) src(%dma_wait3A_578 : memref<100000x128xf32, #tpu.memory_space<hbm>>) dst(%arg11 : memref<128x128xf32, #tpu.memory_space<vmem>>)
      %mul3A_579 = arith.constant 128 : i32
      %mul3A_580 = arith.muli %add3A_553, %mul3A_579 : i32
      %add3A_581 = arith.addi %mul3A_2, %mul3A_580 : i32
      %dma_start3A_582 = arith.constant 0 : i32
      %dma_start3A_583 = tpu.memref_slice %arg4[%add3A_581, %dma_start3A_582] : memref<204800x128xf32, #tpu.memory_space<hbm>> -> memref<128x128xf32, #tpu.memory_space<hbm>>
      %dma_start3A_584 = arith.constant 0 : i32
      %dma_start3A_585 = tpu.memref_slice %arg4[%add3A_581, %dma_start3A_584] : memref<204800x128xf32, #tpu.memory_space<hbm>> -> memref<128x128xf32, #tpu.memory_space<hbm>>
      tpu.enqueue_dma source(%arg11 : memref<128x128xf32, #tpu.memory_space<vmem>>) target(%dma_start3A_585 : memref<128x128xf32, #tpu.memory_space<hbm>>) target_semaphore(%arg25 : memref<!tpu.dma_semaphore, #tpu.memory_space<semaphore_mem>>)
      %mul3A_586 = arith.constant 7 : i32
      %mul3A_587 = arith.muli %mul3A_586, %scan3A_396 : i32
      %add3A_588 = arith.constant 8 : i32
      %add3A_589 = arith.addi %add3A_588, %mul3A_587 : i32
      %add3A_590 = arith.constant 5 : i32
      %add3A_591 = arith.addi %add3A_589, %add3A_590 : i32
      %add3A_592 = arith.constant 6 : i32
      %add3A_593 = arith.addi %add3A_591, %add3A_592 : i32
      %sub3A_594 = arith.constant 7 : i32
      %sub3A_595 = arith.subi %add3A_593, %sub3A_594 : i32
      %mul3A_596 = arith.constant 128 : i32
      %mul3A_597 = arith.muli %sub3A_595, %mul3A_596 : i32
      %add3A_598 = arith.addi %mul3A_2, %mul3A_597 : i32
      %dma_wait3A_599 = arith.constant 0 : i32
      %dma_wait3A_600 = tpu.memref_slice %arg4[%add3A_598, %dma_wait3A_599] : memref<204800x128xf32, #tpu.memory_space<hbm>> -> memref<128x128xf32, #tpu.memory_space<hbm>>
      %dma_wait3A_601 = arith.constant 0 : i32
      %dma_wait3A_602 = tpu.memref_slice %arg4[%add3A_598, %dma_wait3A_601] : memref<204800x128xf32, #tpu.memory_space<hbm>> -> memref<128x128xf32, #tpu.memory_space<hbm>>
      tpu.wait_dma2 semaphore(%arg25 : memref<!tpu.dma_semaphore, #tpu.memory_space<semaphore_mem>>) src(%arg11 : memref<128x128xf32, #tpu.memory_space<vmem>>) dst(%dma_wait3A_602 : memref<128x128xf32, #tpu.memory_space<hbm>>)
      %add3A_603 = arith.constant 6 : i32
      %add3A_604 = arith.addi %add3A_591, %add3A_603 : i32
      %dma_start3A_605 = arith.constant 0 : i32
      %dma_start3A_606 = tpu.memref_slice %arg5[%add3A_604, %dma_start3A_605] : memref<50x128xi32, #tpu.memory_space<vmem>> -> memref<1x128xi32, #tpu.memory_space<vmem>>
      %dma_start3A_607 = tpu.memref_squeeze %dma_start3A_606 : memref<1x128xi32, #tpu.memory_space<vmem>> -> memref<128xi32, #tpu.memory_space<vmem>>
      %dma_start3A_608 = arith.constant 0 : i32
      %dma_start3A_609 = arith.constant 0 : i32
      %dma_start3A_610 = tpu.memref_slice %arg3[%dma_start3A_608, %dma_start3A_609] : memref<100000x128xf32, #tpu.memory_space<hbm>> -> memref<100000x128xf32, #tpu.memory_space<hbm>>
      tpu.enqueue_indirect_dma source(%dma_start3A_610 : memref<100000x128xf32, #tpu.memory_space<hbm>>) target(%arg11 : memref<128x128xf32, #tpu.memory_space<vmem>>) offsets(%dma_start3A_607 : memref<128xi32, #tpu.memory_space<vmem>>) semaphore(%arg18 : memref<!tpu.dma_semaphore, #tpu.memory_space<semaphore_mem>>)
      %dma_wait3A_611 = arith.constant 0 : i32
      %dma_wait3A_612 = tpu.memref_slice %arg5[%add3A_591, %dma_wait3A_611] : memref<50x128xi32, #tpu.memory_space<vmem>> -> memref<1x128xi32, #tpu.memory_space<vmem>>
      %dma_wait3A_613 = tpu.memref_squeeze %dma_wait3A_612 : memref<1x128xi32, #tpu.memory_space<vmem>> -> memref<128xi32, #tpu.memory_space<vmem>>
      %dma_wait3A_614 = arith.constant 0 : i32
      %dma_wait3A_615 = arith.constant 0 : i32
      %dma_wait3A_616 = tpu.memref_slice %arg3[%dma_wait3A_614, %dma_wait3A_615] : memref<100000x128xf32, #tpu.memory_space<hbm>> -> memref<100000x128xf32, #tpu.memory_space<hbm>>
      tpu.wait_indirect_dma semaphore(%arg19 : memref<!tpu.dma_semaphore, #tpu.memory_space<semaphore_mem>>) src(%dma_wait3A_616 : memref<100000x128xf32, #tpu.memory_space<hbm>>) dst(%arg12 : memref<128x128xf32, #tpu.memory_space<vmem>>)
      %mul3A_617 = arith.constant 128 : i32
      %mul3A_618 = arith.muli %add3A_591, %mul3A_617 : i32
      %add3A_619 = arith.addi %mul3A_2, %mul3A_618 : i32
      %dma_start3A_620 = arith.constant 0 : i32
      %dma_start3A_621 = tpu.memref_slice %arg4[%add3A_619, %dma_start3A_620] : memref<204800x128xf32, #tpu.memory_space<hbm>> -> memref<128x128xf32, #tpu.memory_space<hbm>>
      %dma_start3A_622 = arith.constant 0 : i32
      %dma_start3A_623 = tpu.memref_slice %arg4[%add3A_619, %dma_start3A_622] : memref<204800x128xf32, #tpu.memory_space<hbm>> -> memref<128x128xf32, #tpu.memory_space<hbm>>
      tpu.enqueue_dma source(%arg12 : memref<128x128xf32, #tpu.memory_space<vmem>>) target(%dma_start3A_623 : memref<128x128xf32, #tpu.memory_space<hbm>>) target_semaphore(%arg26 : memref<!tpu.dma_semaphore, #tpu.memory_space<semaphore_mem>>)
      %mul3A_624 = arith.constant 7 : i32
      %mul3A_625 = arith.muli %mul3A_624, %scan3A_396 : i32
      %add3A_626 = arith.constant 8 : i32
      %add3A_627 = arith.addi %add3A_626, %mul3A_625 : i32
      %add3A_628 = arith.constant 6 : i32
      %add3A_629 = arith.addi %add3A_627, %add3A_628 : i32
      %add3A_630 = arith.constant 6 : i32
      %add3A_631 = arith.addi %add3A_629, %add3A_630 : i32
      %sub3A_632 = arith.constant 7 : i32
      %sub3A_633 = arith.subi %add3A_631, %sub3A_632 : i32
      %mul3A_634 = arith.constant 128 : i32
      %mul3A_635 = arith.muli %sub3A_633, %mul3A_634 : i32
      %add3A_636 = arith.addi %mul3A_2, %mul3A_635 : i32
      %dma_wait3A_637 = arith.constant 0 : i32
      %dma_wait3A_638 = tpu.memref_slice %arg4[%add3A_636, %dma_wait3A_637] : memref<204800x128xf32, #tpu.memory_space<hbm>> -> memref<128x128xf32, #tpu.memory_space<hbm>>
      %dma_wait3A_639 = arith.constant 0 : i32
      %dma_wait3A_640 = tpu.memref_slice %arg4[%add3A_636, %dma_wait3A_639] : memref<204800x128xf32, #tpu.memory_space<hbm>> -> memref<128x128xf32, #tpu.memory_space<hbm>>
      tpu.wait_dma2 semaphore(%arg26 : memref<!tpu.dma_semaphore, #tpu.memory_space<semaphore_mem>>) src(%arg12 : memref<128x128xf32, #tpu.memory_space<vmem>>) dst(%dma_wait3A_640 : memref<128x128xf32, #tpu.memory_space<hbm>>)
      %add3A_641 = arith.constant 6 : i32
      %add3A_642 = arith.addi %add3A_629, %add3A_641 : i32
      %dma_start3A_643 = arith.constant 0 : i32
      %dma_start3A_644 = tpu.memref_slice %arg5[%add3A_642, %dma_start3A_643] : memref<50x128xi32, #tpu.memory_space<vmem>> -> memref<1x128xi32, #tpu.memory_space<vmem>>
      %dma_start3A_645 = tpu.memref_squeeze %dma_start3A_644 : memref<1x128xi32, #tpu.memory_space<vmem>> -> memref<128xi32, #tpu.memory_space<vmem>>
      %dma_start3A_646 = arith.constant 0 : i32
      %dma_start3A_647 = arith.constant 0 : i32
      %dma_start3A_648 = tpu.memref_slice %arg3[%dma_start3A_646, %dma_start3A_647] : memref<100000x128xf32, #tpu.memory_space<hbm>> -> memref<100000x128xf32, #tpu.memory_space<hbm>>
      tpu.enqueue_indirect_dma source(%dma_start3A_648 : memref<100000x128xf32, #tpu.memory_space<hbm>>) target(%arg12 : memref<128x128xf32, #tpu.memory_space<vmem>>) offsets(%dma_start3A_645 : memref<128xi32, #tpu.memory_space<vmem>>) semaphore(%arg19 : memref<!tpu.dma_semaphore, #tpu.memory_space<semaphore_mem>>)
      %dma_wait3A_649 = arith.constant 0 : i32
      %dma_wait3A_650 = tpu.memref_slice %arg5[%add3A_629, %dma_wait3A_649] : memref<50x128xi32, #tpu.memory_space<vmem>> -> memref<1x128xi32, #tpu.memory_space<vmem>>
      %dma_wait3A_651 = tpu.memref_squeeze %dma_wait3A_650 : memref<1x128xi32, #tpu.memory_space<vmem>> -> memref<128xi32, #tpu.memory_space<vmem>>
      %dma_wait3A_652 = arith.constant 0 : i32
      %dma_wait3A_653 = arith.constant 0 : i32
      %dma_wait3A_654 = tpu.memref_slice %arg3[%dma_wait3A_652, %dma_wait3A_653] : memref<100000x128xf32, #tpu.memory_space<hbm>> -> memref<100000x128xf32, #tpu.memory_space<hbm>>
      tpu.wait_indirect_dma semaphore(%arg13 : memref<!tpu.dma_semaphore, #tpu.memory_space<semaphore_mem>>) src(%dma_wait3A_654 : memref<100000x128xf32, #tpu.memory_space<hbm>>) dst(%arg6 : memref<128x128xf32, #tpu.memory_space<vmem>>)
      %mul3A_655 = arith.constant 128 : i32
      %mul3A_656 = arith.muli %add3A_629, %mul3A_655 : i32
      %add3A_657 = arith.addi %mul3A_2, %mul3A_656 : i32
      %dma_start3A_658 = arith.constant 0 : i32
      %dma_start3A_659 = tpu.memref_slice %arg4[%add3A_657, %dma_start3A_658] : memref<204800x128xf32, #tpu.memory_space<hbm>> -> memref<128x128xf32, #tpu.memory_space<hbm>>
      %dma_start3A_660 = arith.constant 0 : i32
      %dma_start3A_661 = tpu.memref_slice %arg4[%add3A_657, %dma_start3A_660] : memref<204800x128xf32, #tpu.memory_space<hbm>> -> memref<128x128xf32, #tpu.memory_space<hbm>>
      tpu.enqueue_dma source(%arg6 : memref<128x128xf32, #tpu.memory_space<vmem>>) target(%dma_start3A_661 : memref<128x128xf32, #tpu.memory_space<hbm>>) target_semaphore(%arg20 : memref<!tpu.dma_semaphore, #tpu.memory_space<semaphore_mem>>)
    }
    %scan3A_249 = arith.constant 5 : i32
    %add3A_250 = arith.constant 5376 : i32
    %add3A_251 = arith.addi %mul3A_2, %add3A_250 : i32
    %dma_wait3A_252 = arith.constant 0 : i32
    %dma_wait3A_253 = tpu.memref_slice %arg4[%add3A_251, %dma_wait3A_252] : memref<204800x128xf32, #tpu.memory_space<hbm>> -> memref<128x128xf32, #tpu.memory_space<hbm>>
    %dma_wait3A_254 = arith.constant 0 : i32
    %dma_wait3A_255 = tpu.memref_slice %arg4[%add3A_251, %dma_wait3A_254] : memref<204800x128xf32, #tpu.memory_space<hbm>> -> memref<128x128xf32, #tpu.memory_space<hbm>>
    tpu.wait_dma2 semaphore(%arg20 : memref<!tpu.dma_semaphore, #tpu.memory_space<semaphore_mem>>) src(%arg6 : memref<128x128xf32, #tpu.memory_space<vmem>>) dst(%dma_wait3A_255 : memref<128x128xf32, #tpu.memory_space<hbm>>)
    %dma_start3A_256 = arith.constant 49 : i32
    %dma_start3A_257 = arith.constant 0 : i32
    %dma_start3A_258 = tpu.memref_slice %arg5[%dma_start3A_256, %dma_start3A_257] : memref<50x128xi32, #tpu.memory_space<vmem>> -> memref<1x128xi32, #tpu.memory_space<vmem>>
    %dma_start3A_259 = tpu.memref_squeeze %dma_start3A_258 : memref<1x128xi32, #tpu.memory_space<vmem>> -> memref<128xi32, #tpu.memory_space<vmem>>
    %dma_start3A_260 = arith.constant 0 : i32
    %dma_start3A_261 = arith.constant 0 : i32
    %dma_start3A_262 = tpu.memref_slice %arg3[%dma_start3A_260, %dma_start3A_261] : memref<100000x128xf32, #tpu.memory_space<hbm>> -> memref<100000x128xf32, #tpu.memory_space<hbm>>
    tpu.enqueue_indirect_dma source(%dma_start3A_262 : memref<100000x128xf32, #tpu.memory_space<hbm>>) target(%arg6 : memref<128x128xf32, #tpu.memory_space<vmem>>) offsets(%dma_start3A_259 : memref<128xi32, #tpu.memory_space<vmem>>) semaphore(%arg13 : memref<!tpu.dma_semaphore, #tpu.memory_space<semaphore_mem>>)
    %dma_wait3A_263 = arith.constant 43 : i32
    %dma_wait3A_264 = arith.constant 0 : i32
    %dma_wait3A_265 = tpu.memref_slice %arg5[%dma_wait3A_263, %dma_wait3A_264] : memref<50x128xi32, #tpu.memory_space<vmem>> -> memref<1x128xi32, #tpu.memory_space<vmem>>
    %dma_wait3A_266 = tpu.memref_squeeze %dma_wait3A_265 : memref<1x128xi32, #tpu.memory_space<vmem>> -> memref<128xi32, #tpu.memory_space<vmem>>
    %dma_wait3A_267 = arith.constant 0 : i32
    %dma_wait3A_268 = arith.constant 0 : i32
    %dma_wait3A_269 = tpu.memref_slice %arg3[%dma_wait3A_267, %dma_wait3A_268] : memref<100000x128xf32, #tpu.memory_space<hbm>> -> memref<100000x128xf32, #tpu.memory_space<hbm>>
    tpu.wait_indirect_dma semaphore(%arg14 : memref<!tpu.dma_semaphore, #tpu.memory_space<semaphore_mem>>) src(%dma_wait3A_269 : memref<100000x128xf32, #tpu.memory_space<hbm>>) dst(%arg7 : memref<128x128xf32, #tpu.memory_space<vmem>>)
    %add3A_270 = arith.constant 5504 : i32
    %add3A_271 = arith.addi %mul3A_2, %add3A_270 : i32
    %dma_start3A_272 = arith.constant 0 : i32
    %dma_start3A_273 = tpu.memref_slice %arg4[%add3A_271, %dma_start3A_272] : memref<204800x128xf32, #tpu.memory_space<hbm>> -> memref<128x128xf32, #tpu.memory_space<hbm>>
    %dma_start3A_274 = arith.constant 0 : i32
    %dma_start3A_275 = tpu.memref_slice %arg4[%add3A_271, %dma_start3A_274] : memref<204800x128xf32, #tpu.memory_space<hbm>> -> memref<128x128xf32, #tpu.memory_space<hbm>>
    tpu.enqueue_dma source(%arg7 : memref<128x128xf32, #tpu.memory_space<vmem>>) target(%dma_start3A_275 : memref<128x128xf32, #tpu.memory_space<hbm>>) target_semaphore(%arg21 : memref<!tpu.dma_semaphore, #tpu.memory_space<semaphore_mem>>)
    %dma_wait3A_276 = arith.constant 44 : i32
    %dma_wait3A_277 = arith.constant 0 : i32
    %dma_wait3A_278 = tpu.memref_slice %arg5[%dma_wait3A_276, %dma_wait3A_277] : memref<50x128xi32, #tpu.memory_space<vmem>> -> memref<1x128xi32, #tpu.memory_space<vmem>>
    %dma_wait3A_279 = tpu.memref_squeeze %dma_wait3A_278 : memref<1x128xi32, #tpu.memory_space<vmem>> -> memref<128xi32, #tpu.memory_space<vmem>>
    %dma_wait3A_280 = arith.constant 0 : i32
    %dma_wait3A_281 = arith.constant 0 : i32
    %dma_wait3A_282 = tpu.memref_slice %arg3[%dma_wait3A_280, %dma_wait3A_281] : memref<100000x128xf32, #tpu.memory_space<hbm>> -> memref<100000x128xf32, #tpu.memory_space<hbm>>
    tpu.wait_indirect_dma semaphore(%arg15 : memref<!tpu.dma_semaphore, #tpu.memory_space<semaphore_mem>>) src(%dma_wait3A_282 : memref<100000x128xf32, #tpu.memory_space<hbm>>) dst(%arg8 : memref<128x128xf32, #tpu.memory_space<vmem>>)
    %add3A_283 = arith.constant 5632 : i32
    %add3A_284 = arith.addi %mul3A_2, %add3A_283 : i32
    %dma_start3A_285 = arith.constant 0 : i32
    %dma_start3A_286 = tpu.memref_slice %arg4[%add3A_284, %dma_start3A_285] : memref<204800x128xf32, #tpu.memory_space<hbm>> -> memref<128x128xf32, #tpu.memory_space<hbm>>
    %dma_start3A_287 = arith.constant 0 : i32
    %dma_start3A_288 = tpu.memref_slice %arg4[%add3A_284, %dma_start3A_287] : memref<204800x128xf32, #tpu.memory_space<hbm>> -> memref<128x128xf32, #tpu.memory_space<hbm>>
    tpu.enqueue_dma source(%arg8 : memref<128x128xf32, #tpu.memory_space<vmem>>) target(%dma_start3A_288 : memref<128x128xf32, #tpu.memory_space<hbm>>) target_semaphore(%arg22 : memref<!tpu.dma_semaphore, #tpu.memory_space<semaphore_mem>>)
    %dma_wait3A_289 = arith.constant 45 : i32
    %dma_wait3A_290 = arith.constant 0 : i32
    %dma_wait3A_291 = tpu.memref_slice %arg5[%dma_wait3A_289, %dma_wait3A_290] : memref<50x128xi32, #tpu.memory_space<vmem>> -> memref<1x128xi32, #tpu.memory_space<vmem>>
    %dma_wait3A_292 = tpu.memref_squeeze %dma_wait3A_291 : memref<1x128xi32, #tpu.memory_space<vmem>> -> memref<128xi32, #tpu.memory_space<vmem>>
    %dma_wait3A_293 = arith.constant 0 : i32
    %dma_wait3A_294 = arith.constant 0 : i32
    %dma_wait3A_295 = tpu.memref_slice %arg3[%dma_wait3A_293, %dma_wait3A_294] : memref<100000x128xf32, #tpu.memory_space<hbm>> -> memref<100000x128xf32, #tpu.memory_space<hbm>>
    tpu.wait_indirect_dma semaphore(%arg16 : memref<!tpu.dma_semaphore, #tpu.memory_space<semaphore_mem>>) src(%dma_wait3A_295 : memref<100000x128xf32, #tpu.memory_space<hbm>>) dst(%arg9 : memref<128x128xf32, #tpu.memory_space<vmem>>)
    %add3A_296 = arith.constant 5760 : i32
    %add3A_297 = arith.addi %mul3A_2, %add3A_296 : i32
    %dma_start3A_298 = arith.constant 0 : i32
    %dma_start3A_299 = tpu.memref_slice %arg4[%add3A_297, %dma_start3A_298] : memref<204800x128xf32, #tpu.memory_space<hbm>> -> memref<128x128xf32, #tpu.memory_space<hbm>>
    %dma_start3A_300 = arith.constant 0 : i32
    %dma_start3A_301 = tpu.memref_slice %arg4[%add3A_297, %dma_start3A_300] : memref<204800x128xf32, #tpu.memory_space<hbm>> -> memref<128x128xf32, #tpu.memory_space<hbm>>
    tpu.enqueue_dma source(%arg9 : memref<128x128xf32, #tpu.memory_space<vmem>>) target(%dma_start3A_301 : memref<128x128xf32, #tpu.memory_space<hbm>>) target_semaphore(%arg23 : memref<!tpu.dma_semaphore, #tpu.memory_space<semaphore_mem>>)
    %dma_wait3A_302 = arith.constant 46 : i32
    %dma_wait3A_303 = arith.constant 0 : i32
    %dma_wait3A_304 = tpu.memref_slice %arg5[%dma_wait3A_302, %dma_wait3A_303] : memref<50x128xi32, #tpu.memory_space<vmem>> -> memref<1x128xi32, #tpu.memory_space<vmem>>
    %dma_wait3A_305 = tpu.memref_squeeze %dma_wait3A_304 : memref<1x128xi32, #tpu.memory_space<vmem>> -> memref<128xi32, #tpu.memory_space<vmem>>
    %dma_wait3A_306 = arith.constant 0 : i32
    %dma_wait3A_307 = arith.constant 0 : i32
    %dma_wait3A_308 = tpu.memref_slice %arg3[%dma_wait3A_306, %dma_wait3A_307] : memref<100000x128xf32, #tpu.memory_space<hbm>> -> memref<100000x128xf32, #tpu.memory_space<hbm>>
    tpu.wait_indirect_dma semaphore(%arg17 : memref<!tpu.dma_semaphore, #tpu.memory_space<semaphore_mem>>) src(%dma_wait3A_308 : memref<100000x128xf32, #tpu.memory_space<hbm>>) dst(%arg10 : memref<128x128xf32, #tpu.memory_space<vmem>>)
    %add3A_309 = arith.constant 5888 : i32
    %add3A_310 = arith.addi %mul3A_2, %add3A_309 : i32
    %dma_start3A_311 = arith.constant 0 : i32
    %dma_start3A_312 = tpu.memref_slice %arg4[%add3A_310, %dma_start3A_311] : memref<204800x128xf32, #tpu.memory_space<hbm>> -> memref<128x128xf32, #tpu.memory_space<hbm>>
    %dma_start3A_313 = arith.constant 0 : i32
    %dma_start3A_314 = tpu.memref_slice %arg4[%add3A_310, %dma_start3A_313] : memref<204800x128xf32, #tpu.memory_space<hbm>> -> memref<128x128xf32, #tpu.memory_space<hbm>>
    tpu.enqueue_dma source(%arg10 : memref<128x128xf32, #tpu.memory_space<vmem>>) target(%dma_start3A_314 : memref<128x128xf32, #tpu.memory_space<hbm>>) target_semaphore(%arg24 : memref<!tpu.dma_semaphore, #tpu.memory_space<semaphore_mem>>)
    %dma_wait3A_315 = arith.constant 47 : i32
    %dma_wait3A_316 = arith.constant 0 : i32
    %dma_wait3A_317 = tpu.memref_slice %arg5[%dma_wait3A_315, %dma_wait3A_316] : memref<50x128xi32, #tpu.memory_space<vmem>> -> memref<1x128xi32, #tpu.memory_space<vmem>>
    %dma_wait3A_318 = tpu.memref_squeeze %dma_wait3A_317 : memref<1x128xi32, #tpu.memory_space<vmem>> -> memref<128xi32, #tpu.memory_space<vmem>>
    %dma_wait3A_319 = arith.constant 0 : i32
    %dma_wait3A_320 = arith.constant 0 : i32
    %dma_wait3A_321 = tpu.memref_slice %arg3[%dma_wait3A_319, %dma_wait3A_320] : memref<100000x128xf32, #tpu.memory_space<hbm>> -> memref<100000x128xf32, #tpu.memory_space<hbm>>
    tpu.wait_indirect_dma semaphore(%arg18 : memref<!tpu.dma_semaphore, #tpu.memory_space<semaphore_mem>>) src(%dma_wait3A_321 : memref<100000x128xf32, #tpu.memory_space<hbm>>) dst(%arg11 : memref<128x128xf32, #tpu.memory_space<vmem>>)
    %add3A_322 = arith.constant 6016 : i32
    %add3A_323 = arith.addi %mul3A_2, %add3A_322 : i32
    %dma_start3A_324 = arith.constant 0 : i32
    %dma_start3A_325 = tpu.memref_slice %arg4[%add3A_323, %dma_start3A_324] : memref<204800x128xf32, #tpu.memory_space<hbm>> -> memref<128x128xf32, #tpu.memory_space<hbm>>
    %dma_start3A_326 = arith.constant 0 : i32
    %dma_start3A_327 = tpu.memref_slice %arg4[%add3A_323, %dma_start3A_326] : memref<204800x128xf32, #tpu.memory_space<hbm>> -> memref<128x128xf32, #tpu.memory_space<hbm>>
    tpu.enqueue_dma source(%arg11 : memref<128x128xf32, #tpu.memory_space<vmem>>) target(%dma_start3A_327 : memref<128x128xf32, #tpu.memory_space<hbm>>) target_semaphore(%arg25 : memref<!tpu.dma_semaphore, #tpu.memory_space<semaphore_mem>>)
    %dma_wait3A_328 = arith.constant 48 : i32
    %dma_wait3A_329 = arith.constant 0 : i32
    %dma_wait3A_330 = tpu.memref_slice %arg5[%dma_wait3A_328, %dma_wait3A_329] : memref<50x128xi32, #tpu.memory_space<vmem>> -> memref<1x128xi32, #tpu.memory_space<vmem>>
    %dma_wait3A_331 = tpu.memref_squeeze %dma_wait3A_330 : memref<1x128xi32, #tpu.memory_space<vmem>> -> memref<128xi32, #tpu.memory_space<vmem>>
    %dma_wait3A_332 = arith.constant 0 : i32
    %dma_wait3A_333 = arith.constant 0 : i32
    %dma_wait3A_334 = tpu.memref_slice %arg3[%dma_wait3A_332, %dma_wait3A_333] : memref<100000x128xf32, #tpu.memory_space<hbm>> -> memref<100000x128xf32, #tpu.memory_space<hbm>>
    tpu.wait_indirect_dma semaphore(%arg19 : memref<!tpu.dma_semaphore, #tpu.memory_space<semaphore_mem>>) src(%dma_wait3A_334 : memref<100000x128xf32, #tpu.memory_space<hbm>>) dst(%arg12 : memref<128x128xf32, #tpu.memory_space<vmem>>)
    %add3A_335 = arith.constant 6144 : i32
    %add3A_336 = arith.addi %mul3A_2, %add3A_335 : i32
    %dma_start3A_337 = arith.constant 0 : i32
    %dma_start3A_338 = tpu.memref_slice %arg4[%add3A_336, %dma_start3A_337] : memref<204800x128xf32, #tpu.memory_space<hbm>> -> memref<128x128xf32, #tpu.memory_space<hbm>>
    %dma_start3A_339 = arith.constant 0 : i32
    %dma_start3A_340 = tpu.memref_slice %arg4[%add3A_336, %dma_start3A_339] : memref<204800x128xf32, #tpu.memory_space<hbm>> -> memref<128x128xf32, #tpu.memory_space<hbm>>
    tpu.enqueue_dma source(%arg12 : memref<128x128xf32, #tpu.memory_space<vmem>>) target(%dma_start3A_340 : memref<128x128xf32, #tpu.memory_space<hbm>>) target_semaphore(%arg26 : memref<!tpu.dma_semaphore, #tpu.memory_space<semaphore_mem>>)
    %dma_wait3A_341 = arith.constant 49 : i32
    %dma_wait3A_342 = arith.constant 0 : i32
    %dma_wait3A_343 = tpu.memref_slice %arg5[%dma_wait3A_341, %dma_wait3A_342] : memref<50x128xi32, #tpu.memory_space<vmem>> -> memref<1x128xi32, #tpu.memory_space<vmem>>
    %dma_wait3A_344 = tpu.memref_squeeze %dma_wait3A_343 : memref<1x128xi32, #tpu.memory_space<vmem>> -> memref<128xi32, #tpu.memory_space<vmem>>
    %dma_wait3A_345 = arith.constant 0 : i32
    %dma_wait3A_346 = arith.constant 0 : i32
    %dma_wait3A_347 = tpu.memref_slice %arg3[%dma_wait3A_345, %dma_wait3A_346] : memref<100000x128xf32, #tpu.memory_space<hbm>> -> memref<100000x128xf32, #tpu.memory_space<hbm>>
    tpu.wait_indirect_dma semaphore(%arg13 : memref<!tpu.dma_semaphore, #tpu.memory_space<semaphore_mem>>) src(%dma_wait3A_347 : memref<100000x128xf32, #tpu.memory_space<hbm>>) dst(%arg6 : memref<128x128xf32, #tpu.memory_space<vmem>>)
    %add3A_348 = arith.constant 6272 : i32
    %add3A_349 = arith.addi %mul3A_2, %add3A_348 : i32
    %dma_start3A_350 = arith.constant 0 : i32
    %dma_start3A_351 = tpu.memref_slice %arg4[%add3A_349, %dma_start3A_350] : memref<204800x128xf32, #tpu.memory_space<hbm>> -> memref<128x128xf32, #tpu.memory_space<hbm>>
    %dma_start3A_352 = arith.constant 0 : i32
    %dma_start3A_353 = tpu.memref_slice %arg4[%add3A_349, %dma_start3A_352] : memref<204800x128xf32, #tpu.memory_space<hbm>> -> memref<128x128xf32, #tpu.memory_space<hbm>>
    tpu.enqueue_dma source(%arg6 : memref<128x128xf32, #tpu.memory_space<vmem>>) target(%dma_start3A_353 : memref<128x128xf32, #tpu.memory_space<hbm>>) target_semaphore(%arg20 : memref<!tpu.dma_semaphore, #tpu.memory_space<semaphore_mem>>)
    %add3A_354 = arith.constant 5504 : i32
    %add3A_355 = arith.addi %mul3A_2, %add3A_354 : i32
    %dma_wait3A_356 = arith.constant 0 : i32
    %dma_wait3A_357 = tpu.memref_slice %arg4[%add3A_355, %dma_wait3A_356] : memref<204800x128xf32, #tpu.memory_space<hbm>> -> memref<128x128xf32, #tpu.memory_space<hbm>>
    %dma_wait3A_358 = arith.constant 0 : i32
    %dma_wait3A_359 = tpu.memref_slice %arg4[%add3A_355, %dma_wait3A_358] : memref<204800x128xf32, #tpu.memory_space<hbm>> -> memref<128x128xf32, #tpu.memory_space<hbm>>
    tpu.wait_dma2 semaphore(%arg21 : memref<!tpu.dma_semaphore, #tpu.memory_space<semaphore_mem>>) src(%arg7 : memref<128x128xf32, #tpu.memory_space<vmem>>) dst(%dma_wait3A_359 : memref<128x128xf32, #tpu.memory_space<hbm>>)
    %add3A_360 = arith.constant 5632 : i32
    %add3A_361 = arith.addi %mul3A_2, %add3A_360 : i32
    %dma_wait3A_362 = arith.constant 0 : i32
    %dma_wait3A_363 = tpu.memref_slice %arg4[%add3A_361, %dma_wait3A_362] : memref<204800x128xf32, #tpu.memory_space<hbm>> -> memref<128x128xf32, #tpu.memory_space<hbm>>
    %dma_wait3A_364 = arith.constant 0 : i32
    %dma_wait3A_365 = tpu.memref_slice %arg4[%add3A_361, %dma_wait3A_364] : memref<204800x128xf32, #tpu.memory_space<hbm>> -> memref<128x128xf32, #tpu.memory_space<hbm>>
    tpu.wait_dma2 semaphore(%arg22 : memref<!tpu.dma_semaphore, #tpu.memory_space<semaphore_mem>>) src(%arg8 : memref<128x128xf32, #tpu.memory_space<vmem>>) dst(%dma_wait3A_365 : memref<128x128xf32, #tpu.memory_space<hbm>>)
    %add3A_366 = arith.constant 5760 : i32
    %add3A_367 = arith.addi %mul3A_2, %add3A_366 : i32
    %dma_wait3A_368 = arith.constant 0 : i32
    %dma_wait3A_369 = tpu.memref_slice %arg4[%add3A_367, %dma_wait3A_368] : memref<204800x128xf32, #tpu.memory_space<hbm>> -> memref<128x128xf32, #tpu.memory_space<hbm>>
    %dma_wait3A_370 = arith.constant 0 : i32
    %dma_wait3A_371 = tpu.memref_slice %arg4[%add3A_367, %dma_wait3A_370] : memref<204800x128xf32, #tpu.memory_space<hbm>> -> memref<128x128xf32, #tpu.memory_space<hbm>>
    tpu.wait_dma2 semaphore(%arg23 : memref<!tpu.dma_semaphore, #tpu.memory_space<semaphore_mem>>) src(%arg9 : memref<128x128xf32, #tpu.memory_space<vmem>>) dst(%dma_wait3A_371 : memref<128x128xf32, #tpu.memory_space<hbm>>)
    %add3A_372 = arith.constant 5888 : i32
    %add3A_373 = arith.addi %mul3A_2, %add3A_372 : i32
    %dma_wait3A_374 = arith.constant 0 : i32
    %dma_wait3A_375 = tpu.memref_slice %arg4[%add3A_373, %dma_wait3A_374] : memref<204800x128xf32, #tpu.memory_space<hbm>> -> memref<128x128xf32, #tpu.memory_space<hbm>>
    %dma_wait3A_376 = arith.constant 0 : i32
    %dma_wait3A_377 = tpu.memref_slice %arg4[%add3A_373, %dma_wait3A_376] : memref<204800x128xf32, #tpu.memory_space<hbm>> -> memref<128x128xf32, #tpu.memory_space<hbm>>
    tpu.wait_dma2 semaphore(%arg24 : memref<!tpu.dma_semaphore, #tpu.memory_space<semaphore_mem>>) src(%arg10 : memref<128x128xf32, #tpu.memory_space<vmem>>) dst(%dma_wait3A_377 : memref<128x128xf32, #tpu.memory_space<hbm>>)
    %add3A_378 = arith.constant 6016 : i32
    %add3A_379 = arith.addi %mul3A_2, %add3A_378 : i32
    %dma_wait3A_380 = arith.constant 0 : i32
    %dma_wait3A_381 = tpu.memref_slice %arg4[%add3A_379, %dma_wait3A_380] : memref<204800x128xf32, #tpu.memory_space<hbm>> -> memref<128x128xf32, #tpu.memory_space<hbm>>
    %dma_wait3A_382 = arith.constant 0 : i32
    %dma_wait3A_383 = tpu.memref_slice %arg4[%add3A_379, %dma_wait3A_382] : memref<204800x128xf32, #tpu.memory_space<hbm>> -> memref<128x128xf32, #tpu.memory_space<hbm>>
    tpu.wait_dma2 semaphore(%arg25 : memref<!tpu.dma_semaphore, #tpu.memory_space<semaphore_mem>>) src(%arg11 : memref<128x128xf32, #tpu.memory_space<vmem>>) dst(%dma_wait3A_383 : memref<128x128xf32, #tpu.memory_space<hbm>>)
    %add3A_384 = arith.constant 6144 : i32
    %add3A_385 = arith.addi %mul3A_2, %add3A_384 : i32
    %dma_wait3A_386 = arith.constant 0 : i32
    %dma_wait3A_387 = tpu.memref_slice %arg4[%add3A_385, %dma_wait3A_386] : memref<204800x128xf32, #tpu.memory_space<hbm>> -> memref<128x128xf32, #tpu.memory_space<hbm>>
    %dma_wait3A_388 = arith.constant 0 : i32
    %dma_wait3A_389 = tpu.memref_slice %arg4[%add3A_385, %dma_wait3A_388] : memref<204800x128xf32, #tpu.memory_space<hbm>> -> memref<128x128xf32, #tpu.memory_space<hbm>>
    tpu.wait_dma2 semaphore(%arg26 : memref<!tpu.dma_semaphore, #tpu.memory_space<semaphore_mem>>) src(%arg12 : memref<128x128xf32, #tpu.memory_space<vmem>>) dst(%dma_wait3A_389 : memref<128x128xf32, #tpu.memory_space<hbm>>)
    %add3A_390 = arith.constant 6272 : i32
    %add3A_391 = arith.addi %mul3A_2, %add3A_390 : i32
    %dma_wait3A_392 = arith.constant 0 : i32
    %dma_wait3A_393 = tpu.memref_slice %arg4[%add3A_391, %dma_wait3A_392] : memref<204800x128xf32, #tpu.memory_space<hbm>> -> memref<128x128xf32, #tpu.memory_space<hbm>>
    %dma_wait3A_394 = arith.constant 0 : i32
    %dma_wait3A_395 = tpu.memref_slice %arg4[%add3A_391, %dma_wait3A_394] : memref<204800x128xf32, #tpu.memory_space<hbm>> -> memref<128x128xf32, #tpu.memory_space<hbm>>
    tpu.wait_dma2 semaphore(%arg20 : memref<!tpu.dma_semaphore, #tpu.memory_space<semaphore_mem>>) src(%arg6 : memref<128x128xf32, #tpu.memory_space<vmem>>) dst(%dma_wait3A_395 : memref<128x128xf32, #tpu.memory_space<hbm>>)
    return
  }
}

</mosaic_0001>

<sc_bundles>
// kernel: kernel.3.cloned.1.call-start
scs
__scs_entry_jumppad:
0x0: {  	(pc) =	sbr.rel $0x88, $3  }
0x1: {  	(tag) =	ssettag $0x0;
	lr =	simm.s32 $0x1  }
0x2: {  	[smem:$0x3F9F] =	sst lr;
	_ =	strace $0xD0000000  }
0x3: {  	_ = 	snop  }
0x4: {  	_ = 	snop  }
0x5: {  	_ = 	snop  }
0x6: {  	_ = 	snop  }
0x7: {  	_ = 	snop  }
__scs_overlays_trampoline_lowered:
0x8: {  	[smem:$0x3FAE] =	sst s0  }
0x9: {  	[smem:$0x3FAF] =	sst s1  }
0xa: {  	[smem:$0x3FB0] =	sst s2  }
0xb: {  	[smem:$0x3FB1] =	sst s3  }
0xc: {  	[smem:$0x3FB2] =	sst s4  }
0xd: {  	[smem:$0x3FB3] =	sst s5  }
0xe: {  	[smem:$0x3FB4] =	sst s6  }
0xf: {  	[smem:$0x3FB5] =	sst s7  }
0x10: {  	[smem:$0x3FB6] =	sst s8  }
0x11: {  	[smem:$0x3FB7] =	sst s9;
	s0 =	simm.s32 @!p0 $0x0  }
0x12: {  	s1 =	sld [smem:$0x3F9D];
	s0 =	simm.s32 @p0 $0x1  }
0x13: {  	[smem:$0x3FB8] =	sst s0;
	s0 =	simm.s32 @!p1 $0x0  }
0x14: {  	s2 =	sld [smem:$0x3F9C];
	s0 =	simm.s32 @p1 $0x1  }
0x15: {  	[smem:$0x3FB9] =	sst s0;
	s0 =	simm.s32 @!p2 $0x0  }
0x16: {  	s3 =	sld [smem:$0x3FDB];
	s0 =	simm.s32 @p2 $0x1  }
0x17: {  	s4 =	simm.s32 $0x1BF5;
	[smem:$0x3FBB] =	sst s0  }
0x18: {  	s0 =	sld [smem:$0x3F9E];
	_ =	swait.ge [sflag:s4], $0x0  }
0x19: {  	s7 =	sld [smem:$0x3F9F]  }
0x1a: {  	s8 =	sadd.s32 $0xFFFFE003, lr  }
0x1b: {  	s9 =	sadd.s32 $0xFFFFFEF7, lr;
	s5 =	simm.s32 $0xFFFFFFFF;
	p2 =	slt.u32 s8, $0xFFFFF086  }
0x1c: {  	p1 =	slt.u32 s9, $0xF7A;
	s5 =	simm.s32 @!p2 $0x0  }
0x1d: {  	s5 =	simm.s32 @p1 $0x1;
	p0 =	seq.s32 s7, s2  }
0x1e: {  	s7 =	smul.u32 @!p0 $0xF7A, s2;
	p2 =	seq.s32 @!p0 s5, $0x0  }
0x1f: {  	s9 =	smul.u32 $0xF7A, s1;
	s8 =	simm.s32 @!p0 $0x1BF5;
	p2 =	por !p2, p0  }
0x20: {  	[sflag:s8] =	ssyncset.s32 @!p0 $0xFFFFF086;
	s6 =	sadd.s32 @!p0 s3, s7;
	s7 =	simm.s32 @!p0 $0x108  }
0x21: {  	s3 =	sadd.s32 s3, s9;
	s6 =	sadd.s32 @!p0 $0x88, s6;
	s7 =	simm.s32 @p2 $0x1082  }
0x22: {  	[simem:s7], [sflag:s8] =	dma.local @!p0 [hbm:s6], $0xF7A  }
0x23: {  	s9 =	sor.u32 $0xD0000000, s2;
	s6 =	simm.s32 $0x108;
	_ =	swait.ge @!p0 [sflag:s8], $0x0  }
0x24: {  	s3 =	sadd.s32 $0x88, s3;
	s6 =	simm.s32 @!p1 $0x1082;
	[sflag:s4] =	ssyncset.s32 $0xFFFFF086  }
0x25: {  	[simem:s6], [sflag:s4] =	dma.local [hbm:s3], $0xF7A  }
0x26: {  	[smem:$0x3F9F] =	sst s1;
	(tag) =	ssettag s2;
	_ =	strace s9  }
0x27: {  	s1 =	sld [smem:$0x3FAF]  }
0x28: {  	s2 =	sld [smem:$0x3FB0]  }
0x29: {  	s4 =	sld [smem:$0x3FB2]  }
0x2a: {  	p0 =	seq.s32 s5, $0x0;
	s5 =	sld [smem:$0x3FB3]  }
0x2b: {  	s6 =	sld [smem:$0x3FB4]  }
0x2c: {  	s7 =	sld [smem:$0x3FB5]  }
0x2d: {  	s3 =	simm.s32 $0x108;
	s8 =	sld [smem:$0x3FB6]  }
0x2e: {  	s3 =	simm.s32 @!p0 $0x1082;
	s9 =	sld [smem:$0x3FB7]  }
0x2f: {  	lr =	sadd.s32 s0, s3;
	s0 =	sld [smem:$0x3FAE]  }
0x30: {  	s3 =	sld [smem:$0x3FB1]  }
0x31: {  	[smem:$0x3FBA] =	sst s10  }
0x32: {  	s10 =	sld [smem:$0x3FB8];
	_ =	sdelay $0x3  }
0x33: {  	p0 =	seq.s32 s10, $0x1;
	s10 =	sld [smem:$0x3FBA];
	_ =	sdelay $0x3  }
0x34: {  	[smem:$0x3FBA] =	sst s10  }
0x35: {  	s10 =	sld [smem:$0x3FB9];
	_ =	sdelay $0x3  }
0x36: {  	p1 =	seq.s32 s10, $0x1;
	s10 =	sld [smem:$0x3FBA];
	_ =	sdelay $0x3  }
0x37: {  	[smem:$0x3FBA] =	sst s10  }
0x38: {  	s10 =	sld [smem:$0x3FBB]  }
0x39: {  	_ = 	snop;
	(pc) =	sbr.ind lr, $3  }
0x3a: {  	_ = 	snop  }
0x3b: {  	_ = 	snop  }
0x3c: {  	p2 =	seq.s32 s10, $0x1;
	s10 =	sld [smem:$0x3FBA]  }
0x3d: {  	_ =	shalt  }
0x3e: {  	_ =	shalt  }
0x3f: {  	_ =	shalt  }
0x40: {  	_ =	shalt  }
0x41: {  	_ =	shalt  }
0x42: {  	_ =	shalt  }
0x43: {  	_ =	shalt  }
0x44: {  	_ =	shalt  }
0x45: {  	_ =	shalt  }
0x46: {  	_ =	shalt  }
0x47: {  	_ =	shalt  }
0x48: {  	_ =	shalt  }
0x49: {  	_ =	shalt  }
0x4a: {  	_ =	shalt  }
0x4b: {  	_ =	shalt  }
0x4c: {  	_ =	shalt  }
0x4d: {  	_ =	shalt  }
0x4e: {  	_ =	shalt  }
0x4f: {  	_ =	shalt  }
0x50: {  	_ =	shalt  }
0x51: {  	_ =	shalt  }
0x52: {  	_ =	shalt  }
0x53: {  	_ =	shalt  }
0x54: {  	_ =	shalt  }
0x55: {  	_ =	shalt  }
0x56: {  	_ =	shalt  }
0x57: {  	_ =	shalt  }
0x58: {  	_ =	shalt  }
0x59: {  	_ =	shalt  }
0x5a: {  	_ =	shalt  }
0x5b: {  	_ =	shalt  }
0x5c: {  	_ =	shalt  }
0x5d: {  	_ =	shalt  }
0x5e: {  	_ =	shalt  }
0x5f: {  	_ =	shalt  }
0x60: {  	_ =	shalt  }
0x61: {  	_ =	shalt  }
0x62: {  	_ =	shalt  }
0x63: {  	_ =	shalt  }
0x64: {  	_ =	shalt  }
0x65: {  	_ =	shalt  }
0x66: {  	_ =	shalt  }
0x67: {  	_ =	shalt  }
0x68: {  	_ =	shalt  }
0x69: {  	_ =	shalt  }
0x6a: {  	_ =	shalt  }
0x6b: {  	_ =	shalt  }
0x6c: {  	_ =	shalt  }
0x6d: {  	_ =	shalt  }
0x6e: {  	_ =	shalt  }
0x6f: {  	_ =	shalt  }
0x70: {  	_ =	shalt  }
0x71: {  	_ =	shalt  }
0x72: {  	_ =	shalt  }
0x73: {  	_ =	shalt  }
0x74: {  	_ =	shalt  }
0x75: {  	_ =	shalt  }
0x76: {  	_ =	shalt  }
0x77: {  	_ =	shalt  }
0x78: {  	_ =	shalt  }
0x79: {  	_ =	shalt  }
0x7a: {  	_ =	shalt  }
0x7b: {  	_ =	shalt  }
0x7c: {  	_ =	shalt  }
0x7d: {  	_ =	shalt  }
0x7e: {  	_ =	shalt  }
0x7f: {  	_ =	shalt  }
0x80: {  	_ =	shalt  }
0x81: {  	_ =	shalt  }
0x82: {  	_ =	shalt  }
0x83: {  	_ =	shalt  }
0x84: {  	_ =	shalt  }
0x85: {  	_ =	shalt  }
0x86: {  	_ =	shalt  }
0x87: {  	_ =	shalt  }
.Lfunc_end0:
.L_simem_size_0:
called_computation_lowered:
.L_overlay_start_0:
0x88: {  	s2 =	sld [smem:$0x3FD9]  }
0x89: {  	s3 =	sld [smem:$0x3FFE];
	_ =	sdelay $0x1  }
0x8a: {  	s1 =	srdreg.scid  }
0x8b: {  	s0 =	sand.u32 $0x1, s1  }
0x8c: {  	s17 =	sshll.u32 s0, $0xA;
	s2 =	sadd.s32 s3, s2  }
0x8d: {  	s2 =	sadd.s32 s2, s17  }
0x8e: {  	[smem:$0x3FC6] =	sst s2  }
0x8f: {  	_ = 	snop  }
0x90: {  	s2 =	sld [smem:$0x3FC8]  }
0x91: {  	s18 =	sld [smem:$0x3FD0];
	(tm) =	ssettm $0x1  }
0x92: {  	s4 =	sld [smem:$0x3FFB];
	_ =	sdelay $0x3  }
0x93: {  	_ =	strace s4  }
0x94: {  	s4 =	sld [smem:$0x3FFC];
	_ =	sdelay $0x3  }
0x95: {  	_ =	strace s4  }
0x96: {  	s4 =	sld [smem:$0x3FFD];
	_ =	sdelay $0x3  }
0x97: {  	_ =	strace s4  }
0x98: {  	_ =	strace $0x8FFFFFFF  }
0x99: {  	s19 =	sld [smem:$0x3FDB];
	_ =	sdelay $0x1  }
0x9a: {  	s5 =	simm.s32 $_scs_section_size  }
0x9b: {  	s6 =	simm.s32 $_size__tile_overlayer_lowered;
	s7 =	simm.s32 $_tile_overlayer_lowered  }
0x9c: {  	s22 =	simm.s32 $0x1BFF;
	s21 =	sshll.u32 s7, $0x1;
	s4 =	sadd.s32 s5, s19  }
0x9d: {  	s8 =	simm.s32 $0x0;
	s20 =	sshll.u32 s6, $0x1;
	s6 =	sadd.s32 s21, s4  }
0x9e: {  	[timem:s8], [sflag:s22] =	dma.local [hbm:s6], s20  }
0x9f: {  	_ =	swait.ge [sflag:s22], s20  }
0xa0: {  	s5 =	ssub.s32 $0x0, s20;
	[sflag:s22] =	ssyncset.done $0x0  }
0xa1: {  	[sflag:s22] =	ssyncadd.s32 s5;
	_ =	sdelay $0x1  }
0xa2: {  	s23 =	simm.s32 $0x1B8B  }
0xa3: {  	_ =	swait.ge [sflag:s23], $0x1  }
0xa4: {  	[sflag:s23] =	ssyncset.done $0x0  }
0xa5: {  	s25 =	simm.s32 $0x1B8E;
	s24 =	sld [smem:$0x3FFE];
	[sflag:s23] =	ssyncadd.s32 $0xFFFFFFFF  }
0xa6: {  	s26 =	simm.s32 $execute0_lowered;
	[smem:$0x3FD2] =	sst s25  }
0xa7: {  	s6 =	sshll.u32 s26, $0x1;
	_ =	strace $0x80000046;
	[dreg:$0x1] =	wrdreg $0xFFFFFFFF  }
0xa8: {  	s28 =	simm.s32 $_size_execute0_lowered;
	s4 =	sadd.s32 s4, s6;
	[dreg:$0x0] =	wrdreg $0x0  }
0xa9: {  	s6 =	sshll.u32 s28, $0x1;
	[dreg:$0x2] =	wrdreg s4  }
0xaa: {  	[dreg:$0x3] =	wrdreg s6  }
0xab: {  	[dreg:$0x4] =	wrdreg $0xC0  }
0xac: {  	_ =	task [dreg:s8], $0x5FFFF  }
0xad: {  	[dreg:$0x1] =	wrdreg $0xFFFFFFFF  }
0xae: {  	[dreg:$0x0] =	wrdreg $0x60  }
0xaf: {  	[dreg:$0x2] =	wrdreg s24  }
0xb0: {  	[dreg:$0x3] =	wrdreg s2  }
0xb1: {  	[dreg:$0x4] =	wrdreg s18  }
0xb2: {  	[dreg:$0x5] =	wrdreg $0x9  }
0xb3: {  	_ =	task.clear_ibuf [dreg:s8], $0x6FFFF;
	_ =	strace $0x90000046  }
0xb4: {  	s29 =	simm.s32 $0x9;
	_ =	strace $0x80000048  }
0xb5: {  	_ =	swait.ge [sflag:s29], $0x1  }
0xb6: {  	[sflag:s29] =	ssyncadd.s32 $0xFFFFFFFF  }
0xb7: {  	_ =	strace $0x90000048  }
0xb8: {  	_ =	sfence  }
0xb9: {  	s30 =	sld [smem:$0x0];
	_ =	sdelay $0x2  }
0xba: {  	s31 =	sshll.u32 s1, $0xD;
	s1 =	sshrl.u32 s1, $0x2  }
0xbb: {  	s3 =	sand.u32 $0x4000, s31;
	s1 =	sadd.s32 s1, s30  }
0xbc: {  	s0 =	sor.u32 s3, s0;
	s1 =	sshll.u32 s1, $0x11  }
0xbd: {  	s0 =	sor.u32 s1, s0  }
0xbe: {  	s0 =	sadd.s32 $0x8F2B, s0  }
0xbf: {  	[sflag:s0] =	ssyncadd.remote.s32 $0x1  }
0xc0: {  	_ =	sfence.sel $0xFFFF  }
0xc1: {  	[dreg:$0x0] =	wrdreg $0xFFFFFFFF;
	(pc) =	sbr.abs _section_cstart, $3  }
0xc2: {  	[dreg:$0x1] =	wrdreg $0xFFFFFFFF  }
0xc3: {  	_ =	task.clear_ibuf [dreg:s8], $0x2FFFF;
	_ =	strace $0x9FFFFFFF  }
0xc4: {  	(tm) =	ssettm $0x7FFFFFFF  }
0xc5: {  	_ =	shalt  }
tec
execute0_lowered:
.L_overlay_start_1:
0x0: {  	(tag) =	ssettag $0x1  }
0x1: {  	s0 =	rddreg [dreg:$0x0]  }
0x2: {  	s1 =	srdreg.scid;
	s10 =	stileid.u32  }
0x3: {  	s2 =	rddreg [dreg:$0x1];
	s1 =	sand.u32 $0x1, s1;
	s3 =	sshll.u32 s10, $0x1  }
0x4: {  	s4 =	rddreg [dreg:$0x2];
	s5 =	sor.u32 s1, s3  }
0x5: {  	s28 =	simm.s32 $0x9C00;
	s30 =	simm.s32 $0xDC00;
	s6 =	smul.u32 $0x380, s5  }
0x6: {  	s31 =	simm.s32 $0x19C00;
	s29 =	simm.s32 $0x8;
	s8 =	smul.u32 $0xC8000, s5  }
0x7: {  	s3 =	simm.s32 $0x0;
	s7 =	ssub.s32 $0x2, s1;
	s5 =	smul.u32 $0x19000, s5  }
0x8: {  	s20 =	smul.u32 $0x32000, s10;
	[smem:$0x7FF] =	sst s3;
	s9 =	sshrl.u32 s7, $0x1  }
0x9: {  	_ =	strace $0x80000047;
	s9 =	ssub.s32 s7, s9;
	s5 =	sadd.s32 s4, s5  }
0xa: {  	s0 =	sadd.s32 s6, s0;
	s26 =	smax.u32 s9, $0x1;
	[dreg:$0x5] =	wrdreg s5  }
0xb: {  	s11 =	sshrl.u32 s8, $0x3;
	s0 =	sadd.s32 $0x400, s0;
	[dreg:$0x14] =	wrdreg s26  }
0xc: {  	s12 =	sadd.s32 s4, s11;
	s5 =	sadd.s32 $0x800, s5;
	[dreg:$0x4] =	wrdreg s0  }
0xd: {  	s10 =	simm.s32 $0xB;
	[dreg:$0x6] =	wrdreg s5;
	s13 =	sadd.s32 $0x1000, s12  }
0xe: {  	s1 =	smul.u32 $0x19000, s1;
	s14 =	sadd.s32 $0x1800, s12;
	[dreg:$0x7] =	wrdreg s13  }
0xf: {  	s6 =	simm.s32 $0x9;
	s15 =	sadd.s32 $0x2000, s12;
	[dreg:$0x8] =	wrdreg s14  }
0x10: {  	s8 =	simm.s32 $0xA;
	s16 =	sadd.s32 $0x2800, s12;
	[dreg:$0x9] =	wrdreg s15  }
0x11: {  	s9 =	simm.s32 $0x4;
	s17 =	sadd.s32 $0x3000, s12;
	[dreg:$0xa] =	wrdreg s16  }
0x12: {  	s4 =	sadd.s32 s20, s4;
	s18 =	sadd.s32 $0x3800, s12;
	[dreg:$0xb] =	wrdreg s17  }
0x13: {  	s26 =	simm.s32 $0x15C00;
	s19 =	sadd.s32 $0x15800, s12;
	[dreg:$0xc] =	wrdreg s18  }
0x14: {  	s11 =	simm.s32 $0x5;
	s7 =	sadd.s32 $0x16000, s12;
	[dreg:$0xd] =	wrdreg s19  }
0x15: {  	s21 =	sadd.s32 $0x16800, s12;
	s22 =	sadd.s32 $0x17000, s12;
	[dreg:$0xe] =	wrdreg s7  }
0x16: {  	s23 =	sadd.s32 $0x17800, s12;
	s24 =	sadd.s32 $0x18000, s12;
	[dreg:$0xf] =	wrdreg s21  }
0x17: {  	s0 =	sadd.s32 $0x18800, s12;
	s25 =	sadd.s32 s1, s4;
	[dreg:$0x10] =	wrdreg s22  }
0x18: {  	s1 =	simm.s32 $0x11C00;
	s4 =	simm.s32 $0x2;
	[dreg:$0x11] =	wrdreg s23  }
0x19: {  	s12 =	simm.s32 $0xC;
	s5 =	simm.s32 $0xE;
	[dreg:$0x12] =	wrdreg s24  }
0x1a: {  	[dreg:$0x13] =	wrdreg s0;
	s21 =	sadd.s32 $0x4000, s25;
	s22 =	simm.s32 $0xF  }
0x1b: {  	s23 =	simm.s32 $0x80;
	s24 =	simm.s32 $0x1C00;
	s25 =	simm.s32 $0x5C00  }
0x1c: {  	s0 =	simm.s32 $0x1;
	s7 =	simm.s32 $0x3;
	s13 =	simm.s32 $0x6  }
0x1d: {  	s14 =	simm.s32 $0xD;
	s15 =	simm.s32 $0x7;
	s16 =	simm.s32 $0x0  }
.LBB2_1:
0x1e: {  	s17 =	rddreg [dreg:$0x4]  }
0x1f: {  	[tilespmem:s3], [sflag:$0xF] =	stream.linear.gather [hbm4b:s17+s3], $0x1900, $0x38;
	[tilespmem:$0x1DC00] =	vst v63  }
0x20: {  	_ =	swait.ge [sflag:s22], $0x1900  }
0x21: {  	[sflag:s22] =	ssyncset.done $0x0  }
0x22: {  	[sflag:s22] =	ssyncadd.s32 $0xFFFFE700  }
0x23: {  	[tilespmem:s24], [sflag:$0x1] =	stream.indirect.gather [hbm4b:s2+s23], $0x80, s3, s23, $0xb8;
	[tilespmem:$0x1DC00] =	vst v63  }
0x24: {  	_ = 	snop  }
0x25: {  	[tilespmem:s25], [sflag:$0x2] =	stream.indirect.gather [hbm4b:s2+s23], $0x80, s23, s23, $0xb8;
	[tilespmem:$0x1DC00] =	vst v63  }
0x26: {  	s19 =	simm.s32 $0x100  }
0x27: {  	[tilespmem:s28], [sflag:$0x3] =	stream.indirect.gather [hbm4b:s2+s23], $0x80, s19, s23, $0xb8;
	[tilespmem:$0x1DC00] =	vst v63  }
0x28: {  	s20 =	simm.s32 $0x180  }
0x29: {  	[tilespmem:s30], [sflag:$0x4] =	stream.indirect.gather [hbm4b:s2+s23], $0x80, s20, s23, $0xb8;
	[tilespmem:$0x1DC00] =	vst v63  }
0x2a: {  	s18 =	simm.s32 $0x200  }
0x2b: {  	[tilespmem:s1], [sflag:$0x5] =	stream.indirect.gather [hbm4b:s2+s23], $0x80, s18, s23, $0xb8;
	[tilespmem:$0x1DC00] =	vst v63  }
0x2c: {  	s19 =	simm.s32 $0x280  }
0x2d: {  	[tilespmem:s26], [sflag:$0x6] =	stream.indirect.gather [hbm4b:s2+s23], $0x80, s19, s23, $0xb8;
	[tilespmem:$0x1DC00] =	vst v63  }
0x2e: {  	s20 =	simm.s32 $0x300  }
0x2f: {  	[tilespmem:s31], [sflag:$0x7] =	stream.indirect.gather [hbm4b:s2+s23], $0x80, s20, s23, $0xb8;
	[tilespmem:$0x1DC00] =	vst v63  }
0x30: {  	_ =	swait.ge [sflag:s0], $0x4000  }
0x31: {  	[sflag:s0] =	ssyncset.done $0x0  }
0x32: {  	s18 =	rddreg [dreg:$0x5];
	[sflag:s0] =	ssyncadd.s32 $0xFFFFC000  }
0x33: {  	[hbm4b:s18+s3] =	stream.linear.scatter [tilespmem:s24], [sflag:$0x8], $0x4000, $0x38;
	[tilespmem:$0x1DC00] =	vst v63  }
0x34: {  	_ =	swait.ge [sflag:s29], $0x4000  }
0x35: {  	[sflag:s29] =	ssyncset.done $0x0  }
0x36: {  	s19 =	simm.s32 $0x380;
	[sflag:s29] =	ssyncadd.s32 $0xFFFFC000  }
0x37: {  	[tilespmem:s24], [sflag:$0x1] =	stream.indirect.gather [hbm4b:s2+s23], $0x80, s19, s23, $0xb8;
	[tilespmem:$0x1DC00] =	vst v63  }
0x38: {  	_ =	swait.ge [sflag:s4], $0x4000  }
0x39: {  	[sflag:s4] =	ssyncset.done $0x0  }
0x3a: {  	s20 =	rddreg [dreg:$0x6];
	[sflag:s4] =	ssyncadd.s32 $0xFFFFC000  }
0x3b: {  	[hbm4b:s20+s3] =	stream.linear.scatter [tilespmem:s25], [sflag:$0x9], $0x4000, $0x38;
	[tilespmem:$0x1DC00] =	vst v63  }
0x3c: {  	_ =	swait.ge [sflag:s6], $0x4000  }
0x3d: {  	[sflag:s6] =	ssyncset.done $0x0  }
0x3e: {  	s18 =	simm.s32 $0x400;
	[sflag:s6] =	ssyncadd.s32 $0xFFFFC000  }
0x3f: {  	[tilespmem:s25], [sflag:$0x2] =	stream.indirect.gather [hbm4b:s2+s23], $0x80, s18, s23, $0xb8;
	[tilespmem:$0x1DC00] =	vst v63  }
0x40: {  	_ =	swait.ge [sflag:s7], $0x4000  }
0x41: {  	[sflag:s7] =	ssyncset.done $0x0  }
0x42: {  	s19 =	rddreg [dreg:$0x7];
	[sflag:s7] =	ssyncadd.s32 $0xFFFFC000  }
0x43: {  	[hbm4b:s19+s3] =	stream.linear.scatter [tilespmem:s28], [sflag:$0xA], $0x4000, $0x38;
	[tilespmem:$0x1DC00] =	vst v63  }
0x44: {  	_ =	swait.ge [sflag:s8], $0x4000  }
0x45: {  	[sflag:s8] =	ssyncset.done $0x0  }
0x46: {  	s20 =	simm.s32 $0x480;
	[sflag:s8] =	ssyncadd.s32 $0xFFFFC000  }
0x47: {  	[tilespmem:s28], [sflag:$0x3] =	stream.indirect.gather [hbm4b:s2+s23], $0x80, s20, s23, $0xb8;
	[tilespmem:$0x1DC00] =	vst v63  }
0x48: {  	_ =	swait.ge [sflag:s9], $0x4000  }
0x49: {  	[sflag:s9] =	ssyncset.done $0x0  }
0x4a: {  	s18 =	rddreg [dreg:$0x8];
	[sflag:s9] =	ssyncadd.s32 $0xFFFFC000  }
0x4b: {  	[hbm4b:s18+s3] =	stream.linear.scatter [tilespmem:s30], [sflag:$0xB], $0x4000, $0x38;
	[tilespmem:$0x1DC00] =	vst v63  }
0x4c: {  	_ =	swait.ge [sflag:s10], $0x4000  }
0x4d: {  	[sflag:s10] =	ssyncset.done $0x0  }
0x4e: {  	s19 =	simm.s32 $0x500;
	[sflag:s10] =	ssyncadd.s32 $0xFFFFC000  }
0x4f: {  	[tilespmem:s30], [sflag:$0x4] =	stream.indirect.gather [hbm4b:s2+s23], $0x80, s19, s23, $0xb8;
	[tilespmem:$0x1DC00] =	vst v63  }
0x50: {  	_ =	swait.ge [sflag:s11], $0x4000  }
0x51: {  	[sflag:s11] =	ssyncset.done $0x0  }
0x52: {  	s20 =	rddreg [dreg:$0x9];
	[sflag:s11] =	ssyncadd.s32 $0xFFFFC000  }
0x53: {  	[hbm4b:s20+s3] =	stream.linear.scatter [tilespmem:s1], [sflag:$0xC], $0x4000, $0x38;
	[tilespmem:$0x1DC00] =	vst v63  }
0x54: {  	_ =	swait.ge [sflag:s12], $0x4000  }
0x55: {  	[sflag:s12] =	ssyncset.done $0x0  }
0x56: {  	s18 =	simm.s32 $0x580;
	[sflag:s12] =	ssyncadd.s32 $0xFFFFC000  }
0x57: {  	[tilespmem:s1], [sflag:$0x5] =	stream.indirect.gather [hbm4b:s2+s23], $0x80, s18, s23, $0xb8;
	[tilespmem:$0x1DC00] =	vst v63  }
0x58: {  	_ =	swait.ge [sflag:s13], $0x4000  }
0x59: {  	[sflag:s13] =	ssyncset.done $0x0  }
0x5a: {  	s19 =	rddreg [dreg:$0xa];
	[sflag:s13] =	ssyncadd.s32 $0xFFFFC000  }
0x5b: {  	[hbm4b:s19+s3] =	stream.linear.scatter [tilespmem:s26], [sflag:$0xD], $0x4000, $0x38;
	[tilespmem:$0x1DC00] =	vst v63  }
0x5c: {  	_ =	swait.ge [sflag:s14], $0x4000  }
0x5d: {  	[sflag:s14] =	ssyncset.done $0x0  }
0x5e: {  	s20 =	simm.s32 $0x600;
	[sflag:s14] =	ssyncadd.s32 $0xFFFFC000  }
0x5f: {  	[tilespmem:s26], [sflag:$0x6] =	stream.indirect.gather [hbm4b:s2+s23], $0x80, s20, s23, $0xb8;
	[tilespmem:$0x1DC00] =	vst v63  }
0x60: {  	_ =	swait.ge [sflag:s15], $0x4000  }
0x61: {  	[sflag:s15] =	ssyncset.done $0x0  }
0x62: {  	s18 =	rddreg [dreg:$0xb];
	[sflag:s15] =	ssyncadd.s32 $0xFFFFC000  }
0x63: {  	[hbm4b:s18+s3] =	stream.linear.scatter [tilespmem:s31], [sflag:$0xE], $0x4000, $0x38;
	[tilespmem:$0x1DC00] =	vst v63  }
0x64: {  	_ =	swait.ge [sflag:s5], $0x4000  }
0x65: {  	[sflag:s5] =	ssyncset.done $0x0  }
0x66: {  	s19 =	simm.s32 $0x680;
	[sflag:s5] =	ssyncadd.s32 $0xFFFFC000  }
0x67: {  	[tilespmem:s31], [sflag:$0x7] =	stream.indirect.gather [hbm4b:s2+s23], $0x80, s19, s23, $0xb8;
	[tilespmem:$0x1DC00] =	vst v63  }
0x68: {  	_ =	swait.ge [sflag:s0], $0x4000  }
0x69: {  	[sflag:s0] =	ssyncset.done $0x0  }
0x6a: {  	s20 =	rddreg [dreg:$0xc];
	[sflag:s0] =	ssyncadd.s32 $0xFFFFC000  }
0x6b: {  	[hbm4b:s20+s3] =	stream.linear.scatter [tilespmem:s24], [sflag:$0x8], $0x4000, $0x38;
	[tilespmem:$0x1DC00] =	vst v63  }
0x6c: {  	_ =	swait.ge [sflag:s29], $0x4000  }
0x6d: {  	[sflag:s29] =	ssyncset.done $0x0  }
0x6e: {  	s18 =	simm.s32 $0x700;
	[sflag:s29] =	ssyncadd.s32 $0xFFFFC000  }
0x6f: {  	[tilespmem:s24], [sflag:$0x1] =	stream.indirect.gather [hbm4b:s2+s23], $0x80, s18, s23, $0xb8;
	[tilespmem:$0x1DC00] =	vst v63  }
0x70: {  	_ =	swait.ge [sflag:s4], $0x4000  }
0x71: {  	[sflag:s4] =	ssyncset.done $0x0  }
0x72: {  	[sflag:s4] =	ssyncadd.s32 $0xFFFFC000  }
0x73: {  	[hbm4b:s21+s3] =	stream.linear.scatter [tilespmem:s25], [sflag:$0x9], $0x4000, $0x38;
	[tilespmem:$0x1DC00] =	vst v63  }
0x74: {  	_ =	swait.ge [sflag:s6], $0x4000  }
0x75: {  	[sflag:s6] =	ssyncset.done $0x0  }
0x76: {  	s19 =	simm.s32 $0x780;
	[sflag:s6] =	ssyncadd.s32 $0xFFFFC000  }
0x77: {  	[tilespmem:s25], [sflag:$0x2] =	stream.indirect.gather [hbm4b:s2+s23], $0x80, s19, s23, $0xb8;
	[tilespmem:$0x1DC00] =	vst v63  }
0x78: {  	_ =	swait.ge [sflag:s7], $0x4000  }
0x79: {  	[sflag:s7] =	ssyncset.done $0x0  }
0x7a: {  	s20 =	sadd.s32 $0x800, s21;
	[sflag:s7] =	ssyncadd.s32 $0xFFFFC000  }
0x7b: {  	[hbm4b:s20+s3] =	stream.linear.scatter [tilespmem:s28], [sflag:$0xA], $0x4000, $0x38;
	[tilespmem:$0x1DC00] =	vst v63  }
0x7c: {  	_ =	swait.ge [sflag:s8], $0x4000  }
0x7d: {  	[sflag:s8] =	ssyncset.done $0x0  }
0x7e: {  	s18 =	simm.s32 $0x800;
	[sflag:s8] =	ssyncadd.s32 $0xFFFFC000  }
0x7f: {  	[tilespmem:s28], [sflag:$0x3] =	stream.indirect.gather [hbm4b:s2+s23], $0x80, s18, s23, $0xb8;
	[tilespmem:$0x1DC00] =	vst v63  }
0x80: {  	_ =	swait.ge [sflag:s9], $0x4000  }
0x81: {  	[sflag:s9] =	ssyncset.done $0x0  }
0x82: {  	s19 =	sadd.s32 $0x1000, s21;
	[sflag:s9] =	ssyncadd.s32 $0xFFFFC000  }
0x83: {  	[hbm4b:s19+s3] =	stream.linear.scatter [tilespmem:s30], [sflag:$0xB], $0x4000, $0x38;
	[tilespmem:$0x1DC00] =	vst v63  }
0x84: {  	_ =	swait.ge [sflag:s10], $0x4000  }
0x85: {  	[sflag:s10] =	ssyncset.done $0x0  }
0x86: {  	s20 =	simm.s32 $0x880;
	[sflag:s10] =	ssyncadd.s32 $0xFFFFC000  }
0x87: {  	[tilespmem:s30], [sflag:$0x4] =	stream.indirect.gather [hbm4b:s2+s23], $0x80, s20, s23, $0xb8;
	[tilespmem:$0x1DC00] =	vst v63  }
0x88: {  	_ =	swait.ge [sflag:s11], $0x4000  }
0x89: {  	[sflag:s11] =	ssyncset.done $0x0  }
0x8a: {  	s18 =	sadd.s32 $0x1800, s21;
	[sflag:s11] =	ssyncadd.s32 $0xFFFFC000  }
0x8b: {  	[hbm4b:s18+s3] =	stream.linear.scatter [tilespmem:s1], [sflag:$0xC], $0x4000, $0x38;
	[tilespmem:$0x1DC00] =	vst v63  }
0x8c: {  	_ =	swait.ge [sflag:s12], $0x4000  }
0x8d: {  	[sflag:s12] =	ssyncset.done $0x0  }
0x8e: {  	s19 =	simm.s32 $0x900;
	[sflag:s12] =	ssyncadd.s32 $0xFFFFC000  }
0x8f: {  	[tilespmem:s1], [sflag:$0x5] =	stream.indirect.gather [hbm4b:s2+s23], $0x80, s19, s23, $0xb8;
	[tilespmem:$0x1DC00] =	vst v63  }
0x90: {  	_ =	swait.ge [sflag:s13], $0x4000  }
0x91: {  	[sflag:s13] =	ssyncset.done $0x0  }
0x92: {  	s20 =	sadd.s32 $0x2000, s21;
	[sflag:s13] =	ssyncadd.s32 $0xFFFFC000  }
0x93: {  	[hbm4b:s20+s3] =	stream.linear.scatter [tilespmem:s26], [sflag:$0xD], $0x4000, $0x38;
	[tilespmem:$0x1DC00] =	vst v63  }
0x94: {  	_ =	swait.ge [sflag:s14], $0x4000  }
0x95: {  	[sflag:s14] =	ssyncset.done $0x0  }
0x96: {  	s18 =	simm.s32 $0x980;
	[sflag:s14] =	ssyncadd.s32 $0xFFFFC000  }
0x97: {  	[tilespmem:s26], [sflag:$0x6] =	stream.indirect.gather [hbm4b:s2+s23], $0x80, s18, s23, $0xb8;
	[tilespmem:$0x1DC00] =	vst v63  }
0x98: {  	_ =	swait.ge [sflag:s15], $0x4000  }
0x99: {  	[sflag:s15] =	ssyncset.done $0x0  }
0x9a: {  	s19 =	sadd.s32 $0x2800, s21;
	[sflag:s15] =	ssyncadd.s32 $0xFFFFC000  }
0x9b: {  	[hbm4b:s19+s3] =	stream.linear.scatter [tilespmem:s31], [sflag:$0xE], $0x4000, $0x38;
	[tilespmem:$0x1DC00] =	vst v63  }
0x9c: {  	_ =	swait.ge [sflag:s5], $0x4000  }
0x9d: {  	[sflag:s5] =	ssyncset.done $0x0  }
0x9e: {  	s20 =	simm.s32 $0xA00;
	[sflag:s5] =	ssyncadd.s32 $0xFFFFC000  }
0x9f: {  	[tilespmem:s31], [sflag:$0x7] =	stream.indirect.gather [hbm4b:s2+s23], $0x80, s20, s23, $0xb8;
	[tilespmem:$0x1DC00] =	vst v63  }
0xa0: {  	_ =	swait.ge [sflag:s0], $0x4000  }
0xa1: {  	s17 =	simm.s32 $0xE00;
	[sflag:s0] =	ssyncset.done $0x0  }
0xa2: {  	s18 =	sadd.s32 $0x3800, s21;
	s19 =	sadd.s32 $0x3000, s21;
	[sflag:s0] =	ssyncadd.s32 $0xFFFFC000  }
.LBB2_2:
0xa3: {  	[hbm4b:s19+s3] =	stream.linear.scatter [tilespmem:s24], [sflag:$0x8], $0x4000, $0x38;
	[tilespmem:$0x1DC00] =	vst v63  }
0xa4: {  	s19 =	smov.u32 s17  }
0xa5: {  	p0 =	sne.s32 s17, $0x3800;
	s17 =	sadd.s32 $0xE00, s17;
	_ =	swait.ge [sflag:s29], $0x4000  }
0xa6: {  	s19 =	sshra.s32 s19, $0x2;
	[sflag:s29] =	ssyncset.done $0x0  }
0xa7: {  	s20 =	sadd.s32 $0x700, s19;
	[sflag:s29] =	ssyncadd.s32 $0xFFFFC000  }
0xa8: {  	[tilespmem:s24], [sflag:$0x1] =	stream.indirect.gather [hbm4b:s2+s23], $0x80, s20, s23, $0xb8;
	[tilespmem:$0x1DC00] =	vst v63  }
0xa9: {  	_ =	swait.ge [sflag:s4], $0x4000  }
0xaa: {  	[sflag:s4] =	ssyncset.done $0x0  }
0xab: {  	[sflag:s4] =	ssyncadd.s32 $0xFFFFC000  }
0xac: {  	[hbm4b:s18+s3] =	stream.linear.scatter [tilespmem:s25], [sflag:$0x9], $0x4000, $0x38;
	[tilespmem:$0x1DC00] =	vst v63  }
0xad: {  	_ =	swait.ge [sflag:s6], $0x4000  }
0xae: {  	[sflag:s6] =	ssyncset.done $0x0  }
0xaf: {  	s20 =	sadd.s32 $0x780, s19;
	[sflag:s6] =	ssyncadd.s32 $0xFFFFC000  }
0xb0: {  	[tilespmem:s25], [sflag:$0x2] =	stream.indirect.gather [hbm4b:s2+s23], $0x80, s20, s23, $0xb8;
	[tilespmem:$0x1DC00] =	vst v63  }
0xb1: {  	_ =	swait.ge [sflag:s7], $0x4000  }
0xb2: {  	[sflag:s7] =	ssyncset.done $0x0  }
0xb3: {  	s20 =	sadd.s32 $0x800, s18;
	[sflag:s7] =	ssyncadd.s32 $0xFFFFC000  }
0xb4: {  	[hbm4b:s20+s3] =	stream.linear.scatter [tilespmem:s28], [sflag:$0xA], $0x4000, $0x38;
	[tilespmem:$0x1DC00] =	vst v63  }
0xb5: {  	_ =	swait.ge [sflag:s8], $0x4000  }
0xb6: {  	[sflag:s8] =	ssyncset.done $0x0  }
0xb7: {  	s20 =	sadd.s32 $0x800, s19;
	[sflag:s8] =	ssyncadd.s32 $0xFFFFC000  }
0xb8: {  	[tilespmem:s28], [sflag:$0x3] =	stream.indirect.gather [hbm4b:s2+s23], $0x80, s20, s23, $0xb8;
	[tilespmem:$0x1DC00] =	vst v63  }
0xb9: {  	_ =	swait.ge [sflag:s9], $0x4000  }
0xba: {  	[sflag:s9] =	ssyncset.done $0x0  }
0xbb: {  	s20 =	sadd.s32 $0x1000, s18;
	[sflag:s9] =	ssyncadd.s32 $0xFFFFC000  }
0xbc: {  	[hbm4b:s20+s3] =	stream.linear.scatter [tilespmem:s30], [sflag:$0xB], $0x4000, $0x38;
	[tilespmem:$0x1DC00] =	vst v63  }
0xbd: {  	_ =	swait.ge [sflag:s10], $0x4000  }
0xbe: {  	[sflag:s10] =	ssyncset.done $0x0  }
0xbf: {  	s20 =	sadd.s32 $0x880, s19;
	[sflag:s10] =	ssyncadd.s32 $0xFFFFC000  }
0xc0: {  	[tilespmem:s30], [sflag:$0x4] =	stream.indirect.gather [hbm4b:s2+s23], $0x80, s20, s23, $0xb8;
	[tilespmem:$0x1DC00] =	vst v63  }
0xc1: {  	_ =	swait.ge [sflag:s11], $0x4000  }
0xc2: {  	[sflag:s11] =	ssyncset.done $0x0  }
0xc3: {  	s20 =	sadd.s32 $0x1800, s18;
	[sflag:s11] =	ssyncadd.s32 $0xFFFFC000  }
0xc4: {  	[hbm4b:s20+s3] =	stream.linear.scatter [tilespmem:s1], [sflag:$0xC], $0x4000, $0x38;
	[tilespmem:$0x1DC00] =	vst v63  }
0xc5: {  	_ =	swait.ge [sflag:s12], $0x4000  }
0xc6: {  	[sflag:s12] =	ssyncset.done $0x0  }
0xc7: {  	s20 =	sadd.s32 $0x900, s19;
	[sflag:s12] =	ssyncadd.s32 $0xFFFFC000  }
0xc8: {  	[tilespmem:s1], [sflag:$0x5] =	stream.indirect.gather [hbm4b:s2+s23], $0x80, s20, s23, $0xb8;
	[tilespmem:$0x1DC00] =	vst v63  }
0xc9: {  	_ =	swait.ge [sflag:s13], $0x4000  }
0xca: {  	[sflag:s13] =	ssyncset.done $0x0  }
0xcb: {  	s20 =	sadd.s32 $0x2000, s18;
	[sflag:s13] =	ssyncadd.s32 $0xFFFFC000  }
0xcc: {  	[hbm4b:s20+s3] =	stream.linear.scatter [tilespmem:s26], [sflag:$0xD], $0x4000, $0x38;
	[tilespmem:$0x1DC00] =	vst v63  }
0xcd: {  	_ =	swait.ge [sflag:s14], $0x4000  }
0xce: {  	[sflag:s14] =	ssyncset.done $0x0  }
0xcf: {  	s20 =	sadd.s32 $0x980, s19;
	[sflag:s14] =	ssyncadd.s32 $0xFFFFC000  }
0xd0: {  	[tilespmem:s26], [sflag:$0x6] =	stream.indirect.gather [hbm4b:s2+s23], $0x80, s20, s23, $0xb8;
	[tilespmem:$0x1DC00] =	vst v63  }
0xd1: {  	_ =	swait.ge [sflag:s15], $0x4000  }
0xd2: {  	[sflag:s15] =	ssyncset.done $0x0  }
0xd3: {  	s20 =	sadd.s32 $0x2800, s18;
	[sflag:s15] =	ssyncadd.s32 $0xFFFFC000  }
0xd4: {  	[hbm4b:s20+s3] =	stream.linear.scatter [tilespmem:s31], [sflag:$0xE], $0x4000, $0x38;
	[tilespmem:$0x1DC00] =	vst v63  }
0xd5: {  	_ =	swait.ge [sflag:s5], $0x4000  }
0xd6: {  	[sflag:s5] =	ssyncset.done $0x0  }
.Ltmp0:
0xd7: {  	s19 =	sadd.s32 $0xA00, s19;
	[sflag:s5] =	ssyncadd.s32 $0xFFFFC000;
	(pc) =	sbr.rel @p0 .LBB2_2-.Ltmp0, $4  }
0xd8: {  	[tilespmem:s31], [sflag:$0x7] =	stream.indirect.gather [hbm4b:s2+s23], $0x80, s19, s23, $0xb8;
	[tilespmem:$0x1DC00] =	vst v63  }
0xd9: {  	_ =	swait.ge [sflag:s0], $0x4000  }
0xda: {  	[sflag:s0] =	ssyncset.done $0x0  }
0xdb: {  	s19 =	sadd.s32 $0x3000, s18;
	s18 =	sadd.s32 $0x3800, s18;
	[sflag:s0] =	ssyncadd.s32 $0xFFFFC000  }
0xdc: {  	[hbm4b:s19+s3] =	stream.linear.scatter [tilespmem:s24], [sflag:$0x8], $0x4000, $0x38;
	[tilespmem:$0x1DC00] =	vst v63  }
0xdd: {  	_ =	swait.ge [sflag:s29], $0x4000  }
0xde: {  	[sflag:s29] =	ssyncset.done $0x0  }
0xdf: {  	s17 =	simm.s32 $0x1880;
	[sflag:s29] =	ssyncadd.s32 $0xFFFFC000  }
0xe0: {  	[tilespmem:s24], [sflag:$0x1] =	stream.indirect.gather [hbm4b:s2+s23], $0x80, s17, s23, $0xb8;
	[tilespmem:$0x1DC00] =	vst v63  }
0xe1: {  	_ =	swait.ge [sflag:s4], $0x4000  }
0xe2: {  	[sflag:s4] =	ssyncset.done $0x0  }
0xe3: {  	s19 =	rddreg [dreg:$0xd];
	[sflag:s4] =	ssyncadd.s32 $0xFFFFC000  }
0xe4: {  	[hbm4b:s19+s3] =	stream.linear.scatter [tilespmem:s25], [sflag:$0x9], $0x4000, $0x38;
	[tilespmem:$0x1DC00] =	vst v63  }
0xe5: {  	_ =	swait.ge [sflag:s7], $0x4000  }
0xe6: {  	[sflag:s7] =	ssyncset.done $0x0  }
0xe7: {  	s20 =	rddreg [dreg:$0xe];
	[sflag:s7] =	ssyncadd.s32 $0xFFFFC000  }
0xe8: {  	[hbm4b:s20+s3] =	stream.linear.scatter [tilespmem:s28], [sflag:$0xA], $0x4000, $0x38;
	[tilespmem:$0x1DC00] =	vst v63  }
0xe9: {  	_ =	swait.ge [sflag:s9], $0x4000  }
0xea: {  	[sflag:s9] =	ssyncset.done $0x0  }
0xeb: {  	s18 =	rddreg [dreg:$0xf];
	[sflag:s9] =	ssyncadd.s32 $0xFFFFC000  }
0xec: {  	[hbm4b:s18+s3] =	stream.linear.scatter [tilespmem:s30], [sflag:$0xB], $0x4000, $0x38;
	[tilespmem:$0x1DC00] =	vst v63  }
0xed: {  	_ =	swait.ge [sflag:s11], $0x4000  }
0xee: {  	[sflag:s11] =	ssyncset.done $0x0  }
0xef: {  	s19 =	rddreg [dreg:$0x10];
	[sflag:s11] =	ssyncadd.s32 $0xFFFFC000  }
0xf0: {  	[hbm4b:s19+s3] =	stream.linear.scatter [tilespmem:s1], [sflag:$0xC], $0x4000, $0x38;
	[tilespmem:$0x1DC00] =	vst v63  }
0xf1: {  	_ =	swait.ge [sflag:s13], $0x4000  }
0xf2: {  	[sflag:s13] =	ssyncset.done $0x0  }
0xf3: {  	s20 =	rddreg [dreg:$0x11];
	[sflag:s13] =	ssyncadd.s32 $0xFFFFC000  }
0xf4: {  	[hbm4b:s20+s3] =	stream.linear.scatter [tilespmem:s26], [sflag:$0xD], $0x4000, $0x38;
	[tilespmem:$0x1DC00] =	vst v63  }
0xf5: {  	_ =	swait.ge [sflag:s15], $0x4000  }
0xf6: {  	[sflag:s15] =	ssyncset.done $0x0  }
0xf7: {  	s18 =	rddreg [dreg:$0x12];
	[sflag:s15] =	ssyncadd.s32 $0xFFFFC000  }
0xf8: {  	[hbm4b:s18+s3] =	stream.linear.scatter [tilespmem:s31], [sflag:$0xE], $0x4000, $0x38;
	[tilespmem:$0x1DC00] =	vst v63  }
0xf9: {  	_ =	swait.ge [sflag:s0], $0x4000  }
0xfa: {  	[sflag:s0] =	ssyncset.done $0x0  }
0xfb: {  	s19 =	rddreg [dreg:$0x13];
	[sflag:s0] =	ssyncadd.s32 $0xFFFFC000  }
0xfc: {  	[hbm4b:s19+s3] =	stream.linear.scatter [tilespmem:s24], [sflag:$0x8], $0x4000, $0x38;
	[tilespmem:$0x1DC00] =	vst v63  }
0xfd: {  	_ =	swait.ge [sflag:s6], $0x4000  }
0xfe: {  	[sflag:s6] =	ssyncset.done $0x0  }
0xff: {  	[sflag:s6] =	ssyncadd.s32 $0xFFFFC000  }
0x100: {  	_ =	swait.ge [sflag:s8], $0x4000  }
0x101: {  	[sflag:s8] =	ssyncset.done $0x0  }
0x102: {  	[sflag:s8] =	ssyncadd.s32 $0xFFFFC000  }
0x103: {  	_ =	swait.ge [sflag:s10], $0x4000  }
0x104: {  	[sflag:s10] =	ssyncset.done $0x0  }
0x105: {  	[sflag:s10] =	ssyncadd.s32 $0xFFFFC000  }
0x106: {  	_ =	swait.ge [sflag:s12], $0x4000  }
0x107: {  	[sflag:s12] =	ssyncset.done $0x0  }
0x108: {  	[sflag:s12] =	ssyncadd.s32 $0xFFFFC000  }
0x109: {  	_ =	swait.ge [sflag:s14], $0x4000  }
0x10a: {  	[sflag:s14] =	ssyncset.done $0x0  }
0x10b: {  	[sflag:s14] =	ssyncadd.s32 $0xFFFFC000  }
0x10c: {  	_ =	swait.ge [sflag:s5], $0x4000  }
0x10d: {  	[sflag:s5] =	ssyncset.done $0x0  }
0x10e: {  	[sflag:s5] =	ssyncadd.s32 $0xFFFFC000  }
0x10f: {  	_ =	swait.ge [sflag:s29], $0x4000  }
0x110: {  	s16 =	sadd.s32 $0x1, s16;
	s20 =	rddreg [dreg:$0x14]  }
0x111: {  	p0 =	sne.s32 s16, s20  }
.Ltmp1:
0x112: {  	_ = 	snop;
	(pc) =	sbr.rel @p0 .LBB2_1-.Ltmp1, $3  }
0x113: {  	_ =	sdelay $0x1  }
0x114: {  	[sflag:s29] =	ssyncset.done $0x0  }
0x115: {  	[sflag:s29] =	ssyncadd.s32 $0xFFFFC000  }
0x116: {  	_ =	sfence.sel $0x180000  }
0x117: {  	[bflag:$0x0] =	sbarrier.arrive $0xFFFF  }
0x118: {  	_ =	strace $0x90000047  }
0x119: {  	s0 =	stileid.u32;
	[bflag:$0x2] =	sbarrier.arrive $0xFFFF  }
0x11a: {  	p0 =	sne.s32 s0, $0x0;
	s0 =	rddreg [dreg:$0x3]  }
0x11b: {  	s0 =	sadd.s32 @!p0 $0x100000, s0  }
0x11c: {  	[sflag:s0] =	ssyncadd.tile.s32 @!p0 $0x1;
	_ =	shalt  }
.Lfunc_end2:
_tile_overlayer_lowered:
.L_overlay_start_2:
0x11d: {  	(tag) =	ssettag $0x2  }
0x11e: {  	s0 =	rddreg [dreg:$0x0];
	s2 =	stileid.u32  }
0x11f: {  	s1 =	rddreg [dreg:$0x1];
	p0 =	sne.s32 s2, $0x0  }
0x120: {  	s3 =	rddreg [dreg:$0x2];
	[bflag:$0x3] =	sbarrier.arrive $0xFFFF;
	s2 =	simm.s32 @!p0 $0x1C0F  }
0x121: {  	[timem:s3], [sflag:s2] =	dma.local @!p0 [hbm:s0], s1  }
0x122: {  	s0 =	simm.s32 @!p0 $0xF  }
0x123: {  	_ =	swait.ge @!p0 [sflag:s0], s1  }
0x124: {  	s1 =	ssub.s32 @!p0 $0x0, s1;
	[sflag:s0] =	ssyncset.done @!p0 $0x0  }
0x125: {  	[sflag:s0] =	ssyncadd.s32 @!p0 s1  }
0x126: {  	[bflag:$0x3] =	sbarrier.arrive $0xFFFF  }
0x127: {  	_ =	shalt  }

</sc_bundles>
